<compile_context>
chip_gen: v7x
topology: tpu7x:2x2x1
jax: 0.10.2.dev20260603
libtpu: 0.0.44.dev20260713+nightly
codegen_flags: <defaults>
</compile_context>

<pallas_src>
import functools

import jax
import jax.numpy as jnp
from jax import lax
from jax.experimental import pallas as pl
from jax.experimental.pallas import tpu as pltpu
from jax.experimental.pallas import tpu_sc as plsc

WINDOW = 10
NC = 2
NS = 16
L = 16


def _make_kernel(T, B, D, V):
    NW = NC * NS
    dpw = D // NW
    nacc = WINDOW - 1
    ncf = B // L
    mesh = plsc.VectorSubcoreMesh(core_axis_name="c", subcore_axis_name="s")

    @functools.partial(
        pl.kernel,
        mesh=mesh,
        out_type=jax.ShapeDtypeStruct((D, B), jnp.float32),
        compiler_params=pltpu.CompilerParams(needs_layout_passes=False),
        scratch_types=[
            pltpu.VMEM((B,), jnp.int32),
            pltpu.VMEM((B,), jnp.int32),
            pltpu.VMEM((B,), jnp.float32),
            pltpu.VMEM((B,), jnp.float32),
            pltpu.VMEM((B,), jnp.float32),
            pltpu.VMEM((L,), jnp.int32),
            pltpu.VMEM((24,), jnp.int32),
            pltpu.SemaphoreType.DMA,
            pltpu.SemaphoreType.DMA,
            pltpu.SemaphoreType.DMA,
        ],
    )
    def k(data_hbm, atab_hbm, rew_hbm, env_hbm, obs_hbm, toff_hbm, out_hbm,
          env_full, aidx, rww, orow_a, orow_b, toff_v, ridx24,
          sem_t, sem_g, sem_o):
        wid = lax.axis_index("s") * NC + lax.axis_index("c")
        d0 = wid * dpw
        lane = lax.iota(jnp.int32, L)
        orows = [orow_a, orow_b]

        pltpu.sync_copy(env_hbm, env_full)
        pltpu.sync_copy(toff_hbm, toff_v)

        tv = toff_v[...]
        s0 = lane
        v0 = jnp.take(tv, jnp.where(s0 < nacc, s0, s0 - nacc), axis=0,
                      mode="wrap") + jnp.where(s0 < nacc, d0, d0 + 1)
        s1 = lane + 8
        v1 = (jnp.take(tv,
                       jnp.where(s1 < nacc, s1,
                                 jnp.where(s1 < 2 * nacc, s1 - nacc, 0)),
                       axis=0, mode="wrap")
              + jnp.where(s1 < nacc, d0,
                          jnp.where(s1 < 2 * nacc, d0 + 1, d0)))
        ridx24[pl.ds(0, L)] = v0
        ridx24[pl.ds(8, L)] = v1

        def win_phase(winbuf):
            shift = B.bit_length() - 1

            def win_body(c, carry):
                jv = lane + c * L
                ev = env_full[pl.ds(c * L, L)]
                key = ev * B + jv
                skey, _sv = plsc.sort_key_val(key, jv)
                senv = lax.shift_right_logical(skey, shift)
                sj = lax.bitwise_and(skey, B - 1)
                nxt = jnp.take(senv, jnp.minimum(lane + 1, L - 1), axis=0,
                               mode="wrap")
                m = jnp.logical_or(senv != nxt, lane == L - 1)
                plsc.store_scatter(winbuf, [senv], sj, mask=m)
                return carry

            lax.fori_loop(0, ncf, win_body, None)

            @plsc.parallel_loop(0, ncf, unroll=4)
            def wf_body(c):
                sl = pl.ds(c * L, L)
                aidx[sl] = plsc.load_gather(winbuf, [env_full[sl]])

        def res_phase(obs_full, rew_full):
            pltpu.sync_copy(obs_hbm, obs_full)
            pltpu.sync_copy(rew_hbm, rew_full)

            @plsc.parallel_loop(0, ncf, unroll=4)
            def res_body(c):
                sl = pl.ds(c * L, L)
                wv = aidx[sl]
                rww[sl] = plsc.load_gather(rew_full, [wv])
                aidx[sl] = plsc.load_gather(obs_full, [wv])

        inv = jnp.float32(1.0 / WINDOW)

        for j in range(dpw):
            def phase2(arow):
                cp = pltpu.make_async_copy(atab_hbm.at[d0 + j], arow, sem_t)
                cp.start()
                if j == 0:
                    pl.run_scoped(win_phase, pltpu.VMEM((B,), jnp.int32))
                    pl.run_scoped(res_phase,
                                  pltpu.VMEM((B,), jnp.int32),
                                  pltpu.VMEM((B,), jnp.float32))
                cp.wait()
                orow = orows[j]

                @plsc.parallel_loop(0, ncf, unroll=4)
                def a_body(c):
                    sl = pl.ds(c * L, L)
                    g = plsc.load_gather(arow, [aidx[sl]])
                    orow[sl] = g * rww[sl]

            pl.run_scoped(phase2, pltpu.VMEM((V,), jnp.float32))

        def phase3(dstage, wsum):
            pltpu.async_copy(data_hbm.at[ridx24], dstage, sem_g).wait()
            out_cps = []
            for j in range(dpw):
                orow = orows[j]

                @plsc.parallel_loop(0, ncf, unroll=4)
                def s_body(c):
                    sl = pl.ds(c * L, L)
                    acc = dstage[j * nacc, sl]
                    for t in range(1, nacc):
                        acc = acc + dstage[j * nacc + t, sl]
                    wsum[sl] = acc

                @plsc.parallel_loop(0, ncf, unroll=4)
                def o_body(c):
                    sl = pl.ds(c * L, L)
                    g = plsc.load_gather(wsum, [env_full[sl]])
                    orow[sl] = (g + orow[sl]) * inv

                ocp = pltpu.make_async_copy(orow, out_hbm.at[d0 + j], sem_o)
                ocp.start()
                out_cps.append(ocp)
            for ocp in out_cps:
                ocp.wait()

        pl.run_scoped(phase3,
                      pltpu.VMEM((24, B), jnp.float32),
                      pltpu.VMEM((B,), jnp.float32))

    return k


def kernel(data, action_table, rew, env_id, obs_next_idx, length):
    T, B, D = data.shape
    V = action_table.shape[0]
    data_t = jnp.transpose(data, (0, 2, 1)).reshape(T * D, B)
    atab_t = action_table.T
    start = jnp.int32(length) - WINDOW
    toff = (start + lax.iota(jnp.int32, L)) * D
    out_t = _make_kernel(T, B, D, V)(
        data_t, atab_t, rew, env_id, obs_next_idx, toff)
    return out_t.T

# --- scband reference (transcript-rebuilt; emitter-appended) ---
"""Pipeline reference for scband-state-tracker-avg-32968168964276 (READ-ONLY COPY).

The authoritative reference and input builder live on the scoring server;
editing this copy changes nothing except your own understanding.
"""

import jax, jax.numpy as jnp
import numpy as np

MAX_TURN = 100
WINDOW = 10
B = 4096
D = 64
VOCAB = 100000
LENGTH = 50


def setup_inputs(seed: int = 0) -> dict:
    key = jax.random.key(seed)
    k1, k2, k3, k4, k5 = jax.random.split(key, 5)
    # persistent per-env state memory (self.data)
    data = jax.random.normal(k1, (MAX_TURN, B, D), dtype=jnp.float32)
    # learned action embedding table (self.embedding_dict for action columns)
    action_table = jax.random.normal(k2, (VOCAB, D), dtype=jnp.float32) * 0.05
    # reward signal (dense feedback column)
    rew = jax.random.uniform(k3, (B,), dtype=jnp.float32)
    # environment ids routing the scatter write
    env_id = jax.random.randint(k4, (B,), 0, B, dtype=jnp.int32)
    # sparse action ids observed at this turn (obs_next)
    obs_next_idx = jax.random.randint(k5, (B,), 0, VOCAB, dtype=jnp.int32)
    length = LENGTH  # current turn counter len_data[env_id[0]] after increment
    return {
        "data": data,
        "action_table": action_table,
        "rew": rew,
        "env_id": env_id,
        "obs_next_idx": obs_next_idx,
        "length": length,
    }


def reference(data, action_table, rew, env_id, obs_next_idx, length):
    # get_embedding(obs_next, 'action'): sparse embedding lookup (gather)
    a_t = jnp.take(action_table, obs_next_idx, axis=0)  # [B, D]
    # rew_matrix = rew.reshape((-1, 1)); dense feedback passthrough
    r_t = rew.reshape((-1, 1))  # [B, 1]
    # self.data[length - 1, env_id, :] = a_t * r_t  (scatter overwrite routed by env_id)
    new_data = data.at[length - 1, env_id, :].set(a_t * r_t)
    # windowed average of the state memory
    window = jax.lax.dynamic_slice_in_dim(new_data, length - WINDOW, WINDOW, axis=0)
    s_t = window[:, env_id].mean(axis=0)
    return s_t

if __name__ == "__main__":
    import jax
    _d = setup_inputs()
    print(jax.jit(kernel)(*tuple(_d.values())))

</pallas_src>

<mosaic_0001>
#map = affine_map<(d0, d1) -> (0, 0)>
#map1 = affine_map<(d0, d1) -> (0)>
module attributes {stable_mosaic.version = 14 : i64} {
  func.func @k(%arg0: i32, %arg1: i32, %arg2: memref<6400x4096xf32, #tpu.memory_space<hbm>>, %arg3: memref<64x100000xf32, #tpu.memory_space<hbm>>, %arg4: memref<4096xf32, #tpu.memory_space<hbm>>, %arg5: memref<4096xi32, #tpu.memory_space<hbm>>, %arg6: memref<4096xi32, #tpu.memory_space<hbm>>, %arg7: memref<16xi32, #tpu.memory_space<hbm>>, %arg8: memref<64x4096xf32, #tpu.memory_space<hbm>>, %arg9: memref<4096xi32, #tpu.memory_space<vmem>>, %arg10: memref<4096xi32, #tpu.memory_space<vmem>>, %arg11: memref<4096xf32, #tpu.memory_space<vmem>>, %arg12: memref<4096xf32, #tpu.memory_space<vmem>>, %arg13: memref<4096xf32, #tpu.memory_space<vmem>>, %arg14: memref<16xi32, #tpu.memory_space<vmem>>, %arg15: memref<24xi32, #tpu.memory_space<vmem>>, %arg16: memref<!tpu.dma_semaphore, #tpu.memory_space<semaphore_mem>>, %arg17: memref<!tpu.dma_semaphore, #tpu.memory_space<semaphore_mem>>, %arg18: memref<!tpu.dma_semaphore, #tpu.memory_space<semaphore_mem>>) attributes {dimension_semantics = [#tpu.dimension_semantics<core_parallel>, #tpu.dimension_semantics<subcore_parallel>], iteration_bounds = array<i64: 2, 16>, scalar_prefetch = 0 : i64, scratch_operands = 10 : i64, tpu.core_type = #tpu.core_type<sc_vector_subcore>, window_params = [{transform_indices = #map}, {transform_indices = #map}, {transform_indices = #map1}, {transform_indices = #map1}, {transform_indices = #map1}, {transform_indices = #map1}, {transform_indices = #map}]} {
    %mul3A = arith.constant 2 : i32
    %mul3A_0 = arith.muli %arg1, %mul3A : i32
    %add3A = arith.addi %mul3A_0, %arg0 : i32
    %mul3A_1 = arith.constant 2 : i32
    %mul3A_2 = arith.muli %add3A, %mul3A_1 : i32
    %iota3A = tpu.iota {dimensions = array<i32: 0>} : vector<16xi32>
    "tpu.region"() ({
      %run_scoped3A_93 = tpu.sem_alloc : memref<!tpu.dma_semaphore, #tpu.memory_space<semaphore_mem>>
      tpu.enqueue_dma source(%arg5 : memref<4096xi32, #tpu.memory_space<hbm>>) target(%arg9 : memref<4096xi32, #tpu.memory_space<vmem>>) target_semaphore(%run_scoped3A_93 : memref<!tpu.dma_semaphore, #tpu.memory_space<semaphore_mem>>)
      tpu.wait_dma2 semaphore(%run_scoped3A_93 : memref<!tpu.dma_semaphore, #tpu.memory_space<semaphore_mem>>) src(%arg5 : memref<4096xi32, #tpu.memory_space<hbm>>) dst(%arg9 : memref<4096xi32, #tpu.memory_space<vmem>>)
      tpu.yield
    }) : () -> ()
    "tpu.region"() ({
      %run_scoped3A_93 = tpu.sem_alloc : memref<!tpu.dma_semaphore, #tpu.memory_space<semaphore_mem>>
      tpu.enqueue_dma source(%arg7 : memref<16xi32, #tpu.memory_space<hbm>>) target(%arg14 : memref<16xi32, #tpu.memory_space<vmem>>) target_semaphore(%run_scoped3A_93 : memref<!tpu.dma_semaphore, #tpu.memory_space<semaphore_mem>>)
      tpu.wait_dma2 semaphore(%run_scoped3A_93 : memref<!tpu.dma_semaphore, #tpu.memory_space<semaphore_mem>>) src(%arg7 : memref<16xi32, #tpu.memory_space<hbm>>) dst(%arg14 : memref<16xi32, #tpu.memory_space<vmem>>)
      tpu.yield
    }) : () -> ()
    %get3A = arith.constant 0 : index
    %get3A_3 = tpu.vector_load %arg14[%get3A] {strides = array<i32>} : memref<16xi32, #tpu.memory_space<vmem>>, vector<16xi32>,
    %lt3A = arith.constant 9 : i32
    %lt3A_4 = vector.broadcast %lt3A : i32 to vector<16xi32>
    %lt3A_5 = arith.cmpi slt, %iota3A, %lt3A_4 : vector<16xi32>
    %sub3A = arith.constant 9 : i32
    %sub3A_6 = vector.broadcast %sub3A : i32 to vector<16xi32>
    %sub3A_7 = arith.subi %iota3A, %sub3A_6 : vector<16xi32>
    %select_n3A = arith.select %lt3A_5, %iota3A, %sub3A_7 : vector<16xi1>, vector<16xi32>
    %jit3A = arith.constant 16 : i32
    %eq3A = arith.constant 0 : i32
    %eq3A_8 = arith.cmpi eq, %jit3A, %eq3A : i32
    %jit3A_9 = arith.constant 1 : i32
    %select_n3A_10 = arith.select %eq3A_8, %jit3A_9, %jit3A : i32
    %rem3A = vector.broadcast %select_n3A_10 : i32 to vector<16xi32>
    %rem3A_11 = arith.remsi %select_n3A, %rem3A : vector<16xi32>
    %ne3A = arith.constant 0 : i32
    %ne3A_12 = vector.broadcast %ne3A : i32 to vector<16xi32>
    %ne3A_13 = arith.cmpi ne, %rem3A_11, %ne3A_12 : vector<16xi32>
    %lt3A_14 = arith.constant 0 : i32
    %lt3A_15 = vector.broadcast %lt3A_14 : i32 to vector<16xi32>
    %lt3A_16 = arith.cmpi slt, %rem3A_11, %lt3A_15 : vector<16xi32>
    %lt3A_17 = arith.constant 0 : i32
    %lt3A_18 = arith.cmpi slt, %select_n3A_10, %lt3A_17 : i32
    %ne3A_19 = vector.broadcast %lt3A_18 : i1 to vector<16xi1>
    %ne3A_20 = vector.broadcast %ne3A_19 : vector<16xi1> to vector<16xi1>
    %ne3A_21 = arith.xori %lt3A_16, %ne3A_20 : vector<16xi1>
    %and3A = arith.andi %ne3A_21, %ne3A_13 : vector<16xi1>
    %add3A_22 = vector.broadcast %select_n3A_10 : i32 to vector<16xi32>
    %add3A_23 = arith.addi %rem3A_11, %add3A_22 : vector<16xi32>
    %select_n3A_24 = arith.select %and3A, %add3A_23, %rem3A_11 : vector<16xi1>, vector<16xi32>
    %broadcast_in_dim3A = vector.shape_cast %select_n3A_24 : vector<16xi32> to vector<16x1xi32>
    %gather3A = vector.shape_cast %broadcast_in_dim3A : vector<16x1xi32> to vector<16xi32>
    %gather3A_25 = tpu.dynamic_gather %get3A_3[%gather3A] in [0] : vector<16xi32>, vector<16xi32> -> vector<16xi32>
    %lt3A_26 = arith.constant 9 : i32
    %lt3A_27 = vector.broadcast %lt3A_26 : i32 to vector<16xi32>
    %lt3A_28 = arith.cmpi slt, %iota3A, %lt3A_27 : vector<16xi32>
    %add3A_29 = arith.constant 1 : i32
    %add3A_30 = arith.addi %mul3A_2, %add3A_29 : i32
    %broadcast_in_dim3A_31 = vector.broadcast %mul3A_2 : i32 to vector<16xi32>
    %broadcast_in_dim3A_32 = vector.broadcast %add3A_30 : i32 to vector<16xi32>
    %select_n3A_33 = arith.select %lt3A_28, %broadcast_in_dim3A_31, %broadcast_in_dim3A_32 : vector<16xi1>, vector<16xi32>
    %add3A_34 = arith.addi %gather3A_25, %select_n3A_33 : vector<16xi32>
    %add3A_35 = arith.constant 8 : i32
    %add3A_36 = vector.broadcast %add3A_35 : i32 to vector<16xi32>
    %add3A_37 = arith.addi %iota3A, %add3A_36 : vector<16xi32>
    %lt3A_38 = arith.constant 9 : i32
    %lt3A_39 = vector.broadcast %lt3A_38 : i32 to vector<16xi32>
    %lt3A_40 = arith.cmpi slt, %add3A_37, %lt3A_39 : vector<16xi32>
    %lt3A_41 = arith.constant 18 : i32
    %lt3A_42 = vector.broadcast %lt3A_41 : i32 to vector<16xi32>
    %lt3A_43 = arith.cmpi slt, %add3A_37, %lt3A_42 : vector<16xi32>
    %sub3A_44 = arith.constant 9 : i32
    %sub3A_45 = vector.broadcast %sub3A_44 : i32 to vector<16xi32>
    %sub3A_46 = arith.subi %add3A_37, %sub3A_45 : vector<16xi32>
    %jit3A_47 = arith.constant 0 : i32
    %broadcast_in_dim3A_48 = vector.broadcast %jit3A_47 : i32 to vector<16xi32>
    %select_n3A_49 = arith.select %lt3A_43, %sub3A_46, %broadcast_in_dim3A_48 : vector<16xi1>, vector<16xi32>
    %select_n3A_50 = arith.select %lt3A_40, %add3A_37, %select_n3A_49 : vector<16xi1>, vector<16xi32>
    %jit3A_51 = arith.constant 16 : i32
    %eq3A_52 = arith.constant 0 : i32
    %eq3A_53 = arith.cmpi eq, %jit3A_51, %eq3A_52 : i32
    %jit3A_54 = arith.constant 1 : i32
    %select_n3A_55 = arith.select %eq3A_53, %jit3A_54, %jit3A_51 : i32
    %rem3A_56 = vector.broadcast %select_n3A_55 : i32 to vector<16xi32>
    %rem3A_57 = arith.remsi %select_n3A_50, %rem3A_56 : vector<16xi32>
    %ne3A_58 = arith.constant 0 : i32
    %ne3A_59 = vector.broadcast %ne3A_58 : i32 to vector<16xi32>
    %ne3A_60 = arith.cmpi ne, %rem3A_57, %ne3A_59 : vector<16xi32>
    %lt3A_61 = arith.constant 0 : i32
    %lt3A_62 = vector.broadcast %lt3A_61 : i32 to vector<16xi32>
    %lt3A_63 = arith.cmpi slt, %rem3A_57, %lt3A_62 : vector<16xi32>
    %lt3A_64 = arith.constant 0 : i32
    %lt3A_65 = arith.cmpi slt, %select_n3A_55, %lt3A_64 : i32
    %ne3A_66 = vector.broadcast %lt3A_65 : i1 to vector<16xi1>
    %ne3A_67 = vector.broadcast %ne3A_66 : vector<16xi1> to vector<16xi1>
    %ne3A_68 = arith.xori %lt3A_63, %ne3A_67 : vector<16xi1>
    %and3A_69 = arith.andi %ne3A_68, %ne3A_60 : vector<16xi1>
    %add3A_70 = vector.broadcast %select_n3A_55 : i32 to vector<16xi32>
    %add3A_71 = arith.addi %rem3A_57, %add3A_70 : vector<16xi32>
    %select_n3A_72 = arith.select %and3A_69, %add3A_71, %rem3A_57 : vector<16xi1>, vector<16xi32>
    %broadcast_in_dim3A_73 = vector.shape_cast %select_n3A_72 : vector<16xi32> to vector<16x1xi32>
    %gather3A_74 = vector.shape_cast %broadcast_in_dim3A_73 : vector<16x1xi32> to vector<16xi32>
    %gather3A_75 = tpu.dynamic_gather %get3A_3[%gather3A_74] in [0] : vector<16xi32>, vector<16xi32> -> vector<16xi32>
    %lt3A_76 = arith.constant 9 : i32
    %lt3A_77 = vector.broadcast %lt3A_76 : i32 to vector<16xi32>
    %lt3A_78 = arith.cmpi slt, %add3A_37, %lt3A_77 : vector<16xi32>
    %lt3A_79 = arith.constant 18 : i32
    %lt3A_80 = vector.broadcast %lt3A_79 : i32 to vector<16xi32>
    %lt3A_81 = arith.cmpi slt, %add3A_37, %lt3A_80 : vector<16xi32>
    %add3A_82 = arith.constant 1 : i32
    %add3A_83 = arith.addi %mul3A_2, %add3A_82 : i32
    %broadcast_in_dim3A_84 = vector.broadcast %add3A_83 : i32 to vector<16xi32>
    %broadcast_in_dim3A_85 = vector.broadcast %mul3A_2 : i32 to vector<16xi32>
    %select_n3A_86 = arith.select %lt3A_81, %broadcast_in_dim3A_84, %broadcast_in_dim3A_85 : vector<16xi1>, vector<16xi32>
    %broadcast_in_dim3A_87 = vector.broadcast %mul3A_2 : i32 to vector<16xi32>
    %select_n3A_88 = arith.select %lt3A_78, %broadcast_in_dim3A_87, %select_n3A_86 : vector<16xi1>, vector<16xi32>
    %add3A_89 = arith.addi %gather3A_75, %select_n3A_88 : vector<16xi32>
    %swap3A = arith.constant 0 : index
    %swap3A_90 = tpu.vector_load %arg15[%swap3A] {strides = array<i32>} : memref<24xi32, #tpu.memory_space<vmem>>, vector<16xi32>,
    tpu.vector_store %arg15[%swap3A], %add3A_34 {strides = array<i32>} : memref<24xi32, #tpu.memory_space<vmem>>, vector<16xi32>,
    %swap3A_91 = arith.constant 8 : index
    %swap3A_92 = tpu.vector_load %arg15[%swap3A_91] {strides = array<i32>} : memref<24xi32, #tpu.memory_space<vmem>>, vector<16xi32>,
    tpu.vector_store %arg15[%swap3A_91], %add3A_89 {strides = array<i32>} : memref<24xi32, #tpu.memory_space<vmem>>, vector<16xi32>,
    "tpu.region"() ({
      %run_scoped3A_93 = memref.alloca() : memref<100000xf32, #tpu.memory_space<vmem>>
      %add3A_94 = arith.constant 0 : i32
      %add3A_95 = arith.addi %mul3A_2, %add3A_94 : i32
      %dma_start3A = arith.constant 0 : i32
      %dma_start3A_96 = tpu.memref_slice %arg3[%add3A_95, %dma_start3A] : memref<64x100000xf32, #tpu.memory_space<hbm>> -> memref<1x100000xf32, #tpu.memory_space<hbm>>
      %dma_start3A_97 = tpu.memref_squeeze %dma_start3A_96 : memref<1x100000xf32, #tpu.memory_space<hbm>> -> memref<100000xf32, #tpu.memory_space<hbm>>
      %dma_start3A_98 = arith.constant 0 : i32
      %dma_start3A_99 = tpu.memref_slice %arg3[%add3A_95, %dma_start3A_98] : memref<64x100000xf32, #tpu.memory_space<hbm>> -> memref<1x100000xf32, #tpu.memory_space<hbm>>
      %dma_start3A_100 = tpu.memref_squeeze %dma_start3A_99 : memref<1x100000xf32, #tpu.memory_space<hbm>> -> memref<100000xf32, #tpu.memory_space<hbm>>
      tpu.enqueue_dma source(%dma_start3A_100 : memref<100000xf32, #tpu.memory_space<hbm>>) target(%run_scoped3A_93 : memref<100000xf32, #tpu.memory_space<vmem>>) target_semaphore(%arg16 : memref<!tpu.dma_semaphore, #tpu.memory_space<semaphore_mem>>)
      "tpu.region"() ({
        %run_scoped3A_108 = memref.alloca() : memref<4096xi32, #tpu.memory_space<vmem>>
        %scan3A = arith.constant 0 : i32
        %scan3A_109 = arith.constant 256 : i32
        %scan3A_110 = arith.addi %scan3A, %scan3A_109 : i32
        %scan3A_111 = arith.constant 1 : i32
        scf.for %scan3A_116 = %scan3A to %scan3A_110 step %scan3A_111  : i32 {
          %mul3A_117 = arith.constant 16 : i32
          %mul3A_118 = arith.muli %scan3A_116, %mul3A_117 : i32
          %add3A_119 = vector.broadcast %mul3A_118 : i32 to vector<16xi32>
          %add3A_120 = arith.addi %iota3A, %add3A_119 : vector<16xi32>
          %mul3A_121 = arith.constant 16 : i32
          %mul3A_122 = arith.muli %scan3A_116, %mul3A_121 : i32
          %get3A_123 = arith.index_cast %mul3A_122 : i32 to index
          %get3A_124 = tpu.vector_load %arg9[%get3A_123] {strides = array<i32>} : memref<4096xi32, #tpu.memory_space<vmem>>, vector<16xi32>,
          %mul3A_125 = arith.constant 4096 : i32
          %mul3A_126 = vector.broadcast %mul3A_125 : i32 to vector<16xi32>
          %mul3A_127 = arith.muli %get3A_124, %mul3A_126 : vector<16xi32>
          %add3A_128 = arith.addi %mul3A_127, %add3A_120 : vector<16xi32>
          %masked_sort3A = arith.constant dense<true> : vector<16xi1>
          %masked_sort3A_129 = arith.constant -2147483648 : i32
          %masked_sort3A_130 = vector.broadcast %masked_sort3A_129 : i32 to vector<16xi32>
          %masked_sort3A_131 = arith.xori %add3A_128, %masked_sort3A_130 : vector<16xi32>
          %masked_sort3A_132, %masked_sort3A_133, %masked_sort3A_134 = tpu.sort %masked_sort3A_131, %add3A_120 masked %masked_sort3A : (vector<16xi32>, vector<16xi32>, vector<16xi1>) -> (vector<16xi1>, vector<16xi32>, vector<16xi32>)
          %masked_sort3A_135 = arith.xori %masked_sort3A_133, %masked_sort3A_130 : vector<16xi32>
          %shift_right_logical3A = arith.constant 12 : i32
          %shift_right_logical3A_136 = vector.broadcast %shift_right_logical3A : i32 to vector<16xi32>
          %shift_right_logical3A_137 = arith.shrui %masked_sort3A_135, %shift_right_logical3A_136 : vector<16xi32>
          %and3A_138 = arith.constant 4095 : i32
          %and3A_139 = vector.broadcast %and3A_138 : i32 to vector<16xi32>
          %and3A_140 = arith.andi %masked_sort3A_135, %and3A_139 : vector<16xi32>
          %add3A_141 = arith.constant 1 : i32
          %add3A_142 = vector.broadcast %add3A_141 : i32 to vector<16xi32>
          %add3A_143 = arith.addi %iota3A, %add3A_142 : vector<16xi32>
          %min3A = arith.constant 15 : i32
          %min3A_144 = vector.broadcast %min3A : i32 to vector<16xi32>
          %min3A_145 = arith.minsi %add3A_143, %min3A_144 : vector<16xi32>
          %jit3A_146 = arith.constant 16 : i32
          %eq3A_147 = arith.constant 0 : i32
          %eq3A_148 = arith.cmpi eq, %jit3A_146, %eq3A_147 : i32
          %jit3A_149 = arith.constant 1 : i32
          %select_n3A_150 = arith.select %eq3A_148, %jit3A_149, %jit3A_146 : i32
          %rem3A_151 = vector.broadcast %select_n3A_150 : i32 to vector<16xi32>
          %rem3A_152 = arith.remsi %min3A_145, %rem3A_151 : vector<16xi32>
          %ne3A_153 = arith.constant 0 : i32
          %ne3A_154 = vector.broadcast %ne3A_153 : i32 to vector<16xi32>
          %ne3A_155 = arith.cmpi ne, %rem3A_152, %ne3A_154 : vector<16xi32>
          %lt3A_156 = arith.constant 0 : i32
          %lt3A_157 = vector.broadcast %lt3A_156 : i32 to vector<16xi32>
          %lt3A_158 = arith.cmpi slt, %rem3A_152, %lt3A_157 : vector<16xi32>
          %lt3A_159 = arith.constant 0 : i32
          %lt3A_160 = arith.cmpi slt, %select_n3A_150, %lt3A_159 : i32
          %ne3A_161 = vector.broadcast %lt3A_160 : i1 to vector<16xi1>
          %ne3A_162 = vector.broadcast %ne3A_161 : vector<16xi1> to vector<16xi1>
          %ne3A_163 = arith.xori %lt3A_158, %ne3A_162 : vector<16xi1>
          %and3A_164 = arith.andi %ne3A_163, %ne3A_155 : vector<16xi1>
          %add3A_165 = vector.broadcast %select_n3A_150 : i32 to vector<16xi32>
          %add3A_166 = arith.addi %rem3A_152, %add3A_165 : vector<16xi32>
          %select_n3A_167 = arith.select %and3A_164, %add3A_166, %rem3A_152 : vector<16xi1>, vector<16xi32>
          %broadcast_in_dim3A_168 = vector.shape_cast %select_n3A_167 : vector<16xi32> to vector<16x1xi32>
          %gather3A_169 = vector.shape_cast %broadcast_in_dim3A_168 : vector<16x1xi32> to vector<16xi32>
          %gather3A_170 = tpu.dynamic_gather %shift_right_logical3A_137[%gather3A_169] in [0] : vector<16xi32>, vector<16xi32> -> vector<16xi32>
          %ne3A_171 = arith.cmpi ne, %shift_right_logical3A_137, %gather3A_170 : vector<16xi32>
          %eq3A_172 = arith.constant 15 : i32
          %eq3A_173 = vector.broadcast %eq3A_172 : i32 to vector<16xi32>
          %eq3A_174 = arith.cmpi eq, %iota3A, %eq3A_173 : vector<16xi32>
          %or3A = arith.ori %ne3A_171, %eq3A_174 : vector<16xi1>
          tpu.vector_store_idx %run_scoped3A_108[%shift_right_logical3A_137], %and3A_140 masked %or3A : memref<4096xi32, #tpu.memory_space<vmem>>[vector<16xi32>], vector<16xi32>, vector<16xi1>
        }
        %scan3A_112 = arith.constant 256 : i32
        %parallel_loop3A_113 = arith.constant 0 : i32
        %parallel_loop3A_114 = arith.constant 256 : i32
        %parallel_loop3A_115 = arith.constant 1 : i32
        scf.for %parallel_loop3A_116 = %parallel_loop3A_113 to %parallel_loop3A_114 step %parallel_loop3A_115  : i32 {
          %parallel_loop3A_117 = arith.constant 16 : i32
          %parallel_loop3A_118 = arith.muli %parallel_loop3A_116, %parallel_loop3A_117 : i32
          %parallel_loop3A_119 = arith.index_cast %parallel_loop3A_118 : i32 to index
          %parallel_loop3A_120 = tpu.vector_load %arg9[%parallel_loop3A_119] {strides = array<i32>} : memref<4096xi32, #tpu.memory_space<vmem>>, vector<16xi32>,
          %parallel_loop3A_121 = tpu.vector_load_idx %run_scoped3A_108[%parallel_loop3A_120] : memref<4096xi32, #tpu.memory_space<vmem>>[vector<16xi32>], vector<16xi32>,
          %parallel_loop3A_122 = arith.index_cast %parallel_loop3A_118 : i32 to index
          %parallel_loop3A_123 = tpu.vector_load %arg10[%parallel_loop3A_122] {strides = array<i32>} : memref<4096xi32, #tpu.memory_space<vmem>>, vector<16xi32>,
          tpu.vector_store %arg10[%parallel_loop3A_122], %parallel_loop3A_121 {strides = array<i32>} : memref<4096xi32, #tpu.memory_space<vmem>>, vector<16xi32>,
        } {sc.loop_unroll_factor = 4 : i64, sc.parallel_access}
        tpu.yield
      }) : () -> ()
      "tpu.region"() ({
        %run_scoped3A_108 = memref.alloca() : memref<4096xi32, #tpu.memory_space<vmem>>
        %run_scoped3A_109 = memref.alloca() : memref<4096xf32, #tpu.memory_space<vmem>>
        "tpu.region"() ({
          %run_scoped3A_113 = tpu.sem_alloc : memref<!tpu.dma_semaphore, #tpu.memory_space<semaphore_mem>>
          tpu.enqueue_dma source(%arg6 : memref<4096xi32, #tpu.memory_space<hbm>>) target(%run_scoped3A_108 : memref<4096xi32, #tpu.memory_space<vmem>>) target_semaphore(%run_scoped3A_113 : memref<!tpu.dma_semaphore, #tpu.memory_space<semaphore_mem>>)
          tpu.wait_dma2 semaphore(%run_scoped3A_113 : memref<!tpu.dma_semaphore, #tpu.memory_space<semaphore_mem>>) src(%arg6 : memref<4096xi32, #tpu.memory_space<hbm>>) dst(%run_scoped3A_108 : memref<4096xi32, #tpu.memory_space<vmem>>)
          tpu.yield
        }) : () -> ()
        "tpu.region"() ({
          %run_scoped3A_113 = tpu.sem_alloc : memref<!tpu.dma_semaphore, #tpu.memory_space<semaphore_mem>>
          tpu.enqueue_dma source(%arg4 : memref<4096xf32, #tpu.memory_space<hbm>>) target(%run_scoped3A_109 : memref<4096xf32, #tpu.memory_space<vmem>>) target_semaphore(%run_scoped3A_113 : memref<!tpu.dma_semaphore, #tpu.memory_space<semaphore_mem>>)
          tpu.wait_dma2 semaphore(%run_scoped3A_113 : memref<!tpu.dma_semaphore, #tpu.memory_space<semaphore_mem>>) src(%arg4 : memref<4096xf32, #tpu.memory_space<hbm>>) dst(%run_scoped3A_109 : memref<4096xf32, #tpu.memory_space<vmem>>)
          tpu.yield
        }) : () -> ()
        %parallel_loop3A_110 = arith.constant 0 : i32
        %parallel_loop3A_111 = arith.constant 256 : i32
        %parallel_loop3A_112 = arith.constant 1 : i32
        scf.for %parallel_loop3A_113 = %parallel_loop3A_110 to %parallel_loop3A_111 step %parallel_loop3A_112  : i32 {
          %parallel_loop3A_114 = arith.constant 16 : i32
          %parallel_loop3A_115 = arith.muli %parallel_loop3A_113, %parallel_loop3A_114 : i32
          %parallel_loop3A_116 = arith.index_cast %parallel_loop3A_115 : i32 to index
          %parallel_loop3A_117 = tpu.vector_load %arg10[%parallel_loop3A_116] {strides = array<i32>} : memref<4096xi32, #tpu.memory_space<vmem>>, vector<16xi32>,
          %parallel_loop3A_118 = tpu.vector_load_idx %run_scoped3A_109[%parallel_loop3A_117] : memref<4096xf32, #tpu.memory_space<vmem>>[vector<16xi32>], vector<16xf32>,
          %parallel_loop3A_119 = arith.index_cast %parallel_loop3A_115 : i32 to index
          %parallel_loop3A_120 = tpu.vector_load %arg11[%parallel_loop3A_119] {strides = array<i32>} : memref<4096xf32, #tpu.memory_space<vmem>>, vector<16xf32>,
          tpu.vector_store %arg11[%parallel_loop3A_119], %parallel_loop3A_118 {strides = array<i32>} : memref<4096xf32, #tpu.memory_space<vmem>>, vector<16xf32>,
          %parallel_loop3A_121 = tpu.vector_load_idx %run_scoped3A_108[%parallel_loop3A_117] : memref<4096xi32, #tpu.memory_space<vmem>>[vector<16xi32>], vector<16xi32>,
          %parallel_loop3A_122 = arith.index_cast %parallel_loop3A_115 : i32 to index
          %parallel_loop3A_123 = tpu.vector_load %arg10[%parallel_loop3A_122] {strides = array<i32>} : memref<4096xi32, #tpu.memory_space<vmem>>, vector<16xi32>,
          tpu.vector_store %arg10[%parallel_loop3A_122], %parallel_loop3A_121 {strides = array<i32>} : memref<4096xi32, #tpu.memory_space<vmem>>, vector<16xi32>,
        } {sc.loop_unroll_factor = 4 : i64, sc.parallel_access}
        tpu.yield
      }) : () -> ()
      %dma_wait3A = arith.constant 0 : i32
      %dma_wait3A_101 = tpu.memref_slice %arg3[%add3A_95, %dma_wait3A] : memref<64x100000xf32, #tpu.memory_space<hbm>> -> memref<1x100000xf32, #tpu.memory_space<hbm>>
      %dma_wait3A_102 = tpu.memref_squeeze %dma_wait3A_101 : memref<1x100000xf32, #tpu.memory_space<hbm>> -> memref<100000xf32, #tpu.memory_space<hbm>>
      %dma_wait3A_103 = arith.constant 0 : i32
      %dma_wait3A_104 = tpu.memref_slice %arg3[%add3A_95, %dma_wait3A_103] : memref<64x100000xf32, #tpu.memory_space<hbm>> -> memref<1x100000xf32, #tpu.memory_space<hbm>>
      %dma_wait3A_105 = tpu.memref_squeeze %dma_wait3A_104 : memref<1x100000xf32, #tpu.memory_space<hbm>> -> memref<100000xf32, #tpu.memory_space<hbm>>
      tpu.wait_dma2 semaphore(%arg16 : memref<!tpu.dma_semaphore, #tpu.memory_space<semaphore_mem>>) src(%dma_wait3A_105 : memref<100000xf32, #tpu.memory_space<hbm>>) dst(%run_scoped3A_93 : memref<100000xf32, #tpu.memory_space<vmem>>)
      %parallel_loop3A = arith.constant 0 : i32
      %parallel_loop3A_106 = arith.constant 256 : i32
      %parallel_loop3A_107 = arith.constant 1 : i32
      scf.for %parallel_loop3A_108 = %parallel_loop3A to %parallel_loop3A_106 step %parallel_loop3A_107  : i32 {
        %parallel_loop3A_109 = arith.constant 16 : i32
        %parallel_loop3A_110 = arith.muli %parallel_loop3A_108, %parallel_loop3A_109 : i32
        %parallel_loop3A_111 = arith.index_cast %parallel_loop3A_110 : i32 to index
        %parallel_loop3A_112 = tpu.vector_load %arg10[%parallel_loop3A_111] {strides = array<i32>} : memref<4096xi32, #tpu.memory_space<vmem>>, vector<16xi32>,
        %parallel_loop3A_113 = tpu.vector_load_idx %run_scoped3A_93[%parallel_loop3A_112] : memref<100000xf32, #tpu.memory_space<vmem>>[vector<16xi32>], vector<16xf32>,
        %parallel_loop3A_114 = arith.index_cast %parallel_loop3A_110 : i32 to index
        %parallel_loop3A_115 = tpu.vector_load %arg11[%parallel_loop3A_114] {strides = array<i32>} : memref<4096xf32, #tpu.memory_space<vmem>>, vector<16xf32>,
        %parallel_loop3A_116 = arith.mulf %parallel_loop3A_113, %parallel_loop3A_115 : vector<16xf32>
        %parallel_loop3A_117 = arith.index_cast %parallel_loop3A_110 : i32 to index
        %parallel_loop3A_118 = tpu.vector_load %arg12[%parallel_loop3A_117] {strides = array<i32>} : memref<4096xf32, #tpu.memory_space<vmem>>, vector<16xf32>,
        tpu.vector_store %arg12[%parallel_loop3A_117], %parallel_loop3A_116 {strides = array<i32>} : memref<4096xf32, #tpu.memory_space<vmem>>, vector<16xf32>,
      } {sc.loop_unroll_factor = 4 : i64, sc.parallel_access}
      tpu.yield
    }) : () -> ()
    "tpu.region"() ({
      %run_scoped3A_93 = memref.alloca() : memref<100000xf32, #tpu.memory_space<vmem>>
      %add3A_94 = arith.constant 1 : i32
      %add3A_95 = arith.addi %mul3A_2, %add3A_94 : i32
      %dma_start3A = arith.constant 0 : i32
      %dma_start3A_96 = tpu.memref_slice %arg3[%add3A_95, %dma_start3A] : memref<64x100000xf32, #tpu.memory_space<hbm>> -> memref<1x100000xf32, #tpu.memory_space<hbm>>
      %dma_start3A_97 = tpu.memref_squeeze %dma_start3A_96 : memref<1x100000xf32, #tpu.memory_space<hbm>> -> memref<100000xf32, #tpu.memory_space<hbm>>
      %dma_start3A_98 = arith.constant 0 : i32
      %dma_start3A_99 = tpu.memref_slice %arg3[%add3A_95, %dma_start3A_98] : memref<64x100000xf32, #tpu.memory_space<hbm>> -> memref<1x100000xf32, #tpu.memory_space<hbm>>
      %dma_start3A_100 = tpu.memref_squeeze %dma_start3A_99 : memref<1x100000xf32, #tpu.memory_space<hbm>> -> memref<100000xf32, #tpu.memory_space<hbm>>
      tpu.enqueue_dma source(%dma_start3A_100 : memref<100000xf32, #tpu.memory_space<hbm>>) target(%run_scoped3A_93 : memref<100000xf32, #tpu.memory_space<vmem>>) target_semaphore(%arg16 : memref<!tpu.dma_semaphore, #tpu.memory_space<semaphore_mem>>)
      %dma_wait3A = arith.constant 0 : i32
      %dma_wait3A_101 = tpu.memref_slice %arg3[%add3A_95, %dma_wait3A] : memref<64x100000xf32, #tpu.memory_space<hbm>> -> memref<1x100000xf32, #tpu.memory_space<hbm>>
      %dma_wait3A_102 = tpu.memref_squeeze %dma_wait3A_101 : memref<1x100000xf32, #tpu.memory_space<hbm>> -> memref<100000xf32, #tpu.memory_space<hbm>>
      %dma_wait3A_103 = arith.constant 0 : i32
      %dma_wait3A_104 = tpu.memref_slice %arg3[%add3A_95, %dma_wait3A_103] : memref<64x100000xf32, #tpu.memory_space<hbm>> -> memref<1x100000xf32, #tpu.memory_space<hbm>>
      %dma_wait3A_105 = tpu.memref_squeeze %dma_wait3A_104 : memref<1x100000xf32, #tpu.memory_space<hbm>> -> memref<100000xf32, #tpu.memory_space<hbm>>
      tpu.wait_dma2 semaphore(%arg16 : memref<!tpu.dma_semaphore, #tpu.memory_space<semaphore_mem>>) src(%dma_wait3A_105 : memref<100000xf32, #tpu.memory_space<hbm>>) dst(%run_scoped3A_93 : memref<100000xf32, #tpu.memory_space<vmem>>)
      %parallel_loop3A = arith.constant 0 : i32
      %parallel_loop3A_106 = arith.constant 256 : i32
      %parallel_loop3A_107 = arith.constant 1 : i32
      scf.for %parallel_loop3A_108 = %parallel_loop3A to %parallel_loop3A_106 step %parallel_loop3A_107  : i32 {
        %parallel_loop3A_109 = arith.constant 16 : i32
        %parallel_loop3A_110 = arith.muli %parallel_loop3A_108, %parallel_loop3A_109 : i32
        %parallel_loop3A_111 = arith.index_cast %parallel_loop3A_110 : i32 to index
        %parallel_loop3A_112 = tpu.vector_load %arg10[%parallel_loop3A_111] {strides = array<i32>} : memref<4096xi32, #tpu.memory_space<vmem>>, vector<16xi32>,
        %parallel_loop3A_113 = tpu.vector_load_idx %run_scoped3A_93[%parallel_loop3A_112] : memref<100000xf32, #tpu.memory_space<vmem>>[vector<16xi32>], vector<16xf32>,
        %parallel_loop3A_114 = arith.index_cast %parallel_loop3A_110 : i32 to index
        %parallel_loop3A_115 = tpu.vector_load %arg11[%parallel_loop3A_114] {strides = array<i32>} : memref<4096xf32, #tpu.memory_space<vmem>>, vector<16xf32>,
        %parallel_loop3A_116 = arith.mulf %parallel_loop3A_113, %parallel_loop3A_115 : vector<16xf32>
        %parallel_loop3A_117 = arith.index_cast %parallel_loop3A_110 : i32 to index
        %parallel_loop3A_118 = tpu.vector_load %arg13[%parallel_loop3A_117] {strides = array<i32>} : memref<4096xf32, #tpu.memory_space<vmem>>, vector<16xf32>,
        tpu.vector_store %arg13[%parallel_loop3A_117], %parallel_loop3A_116 {strides = array<i32>} : memref<4096xf32, #tpu.memory_space<vmem>>, vector<16xf32>,
      } {sc.loop_unroll_factor = 4 : i64, sc.parallel_access}
      tpu.yield
    }) : () -> ()
    %run_scoped3A = arith.constant 1.000000e-01 : f32
    "tpu.region"() ({
      %run_scoped3A_93 = memref.alloca() : memref<24x4096xf32, #tpu.memory_space<vmem>>
      %run_scoped3A_94 = memref.alloca() : memref<4096xf32, #tpu.memory_space<vmem>>
      %dma_start3A = arith.constant 0 : i32
      %dma_start3A_95 = arith.constant 0 : i32
      %dma_start3A_96 = tpu.memref_slice %arg2[%dma_start3A, %dma_start3A_95] : memref<6400x4096xf32, #tpu.memory_space<hbm>> -> memref<6400x4096xf32, #tpu.memory_space<hbm>>
      tpu.enqueue_indirect_dma source(%dma_start3A_96 : memref<6400x4096xf32, #tpu.memory_space<hbm>>) target(%run_scoped3A_93 : memref<24x4096xf32, #tpu.memory_space<vmem>>) offsets(%arg15 : memref<24xi32, #tpu.memory_space<vmem>>) semaphore(%arg17 : memref<!tpu.dma_semaphore, #tpu.memory_space<semaphore_mem>>)
      %dma_wait3A = arith.constant 0 : i32
      %dma_wait3A_97 = arith.constant 0 : i32
      %dma_wait3A_98 = tpu.memref_slice %arg2[%dma_wait3A, %dma_wait3A_97] : memref<6400x4096xf32, #tpu.memory_space<hbm>> -> memref<6400x4096xf32, #tpu.memory_space<hbm>>
      tpu.wait_indirect_dma semaphore(%arg17 : memref<!tpu.dma_semaphore, #tpu.memory_space<semaphore_mem>>) src(%dma_wait3A_98 : memref<6400x4096xf32, #tpu.memory_space<hbm>>) dst(%run_scoped3A_93 : memref<24x4096xf32, #tpu.memory_space<vmem>>)
      %parallel_loop3A = arith.constant 0 : i32
      %parallel_loop3A_99 = arith.constant 256 : i32
      %parallel_loop3A_100 = arith.constant 1 : i32
      scf.for %parallel_loop3A_138 = %parallel_loop3A to %parallel_loop3A_99 step %parallel_loop3A_100  : i32 {
        %parallel_loop3A_139 = arith.constant 16 : i32
        %parallel_loop3A_140 = arith.muli %parallel_loop3A_138, %parallel_loop3A_139 : i32
        %parallel_loop3A_141 = arith.constant 0 : i32
        %parallel_loop3A_142 = arith.index_cast %parallel_loop3A_141 : i32 to index
        %parallel_loop3A_143 = arith.index_cast %parallel_loop3A_140 : i32 to index
        %parallel_loop3A_144 = tpu.vector_load %run_scoped3A_93[%parallel_loop3A_142, %parallel_loop3A_143] {strides = array<i32>} : memref<24x4096xf32, #tpu.memory_space<vmem>>, vector<16xf32>,
        %parallel_loop3A_145 = arith.constant 1 : i32
        %parallel_loop3A_146 = arith.index_cast %parallel_loop3A_145 : i32 to index
        %parallel_loop3A_147 = arith.index_cast %parallel_loop3A_140 : i32 to index
        %parallel_loop3A_148 = tpu.vector_load %run_scoped3A_93[%parallel_loop3A_146, %parallel_loop3A_147] {strides = array<i32>} : memref<24x4096xf32, #tpu.memory_space<vmem>>, vector<16xf32>,
        %parallel_loop3A_149 = arith.addf %parallel_loop3A_144, %parallel_loop3A_148 : vector<16xf32>
        %parallel_loop3A_150 = arith.constant 2 : i32
        %parallel_loop3A_151 = arith.index_cast %parallel_loop3A_150 : i32 to index
        %parallel_loop3A_152 = arith.index_cast %parallel_loop3A_140 : i32 to index
        %parallel_loop3A_153 = tpu.vector_load %run_scoped3A_93[%parallel_loop3A_151, %parallel_loop3A_152] {strides = array<i32>} : memref<24x4096xf32, #tpu.memory_space<vmem>>, vector<16xf32>,
        %parallel_loop3A_154 = arith.addf %parallel_loop3A_149, %parallel_loop3A_153 : vector<16xf32>
        %parallel_loop3A_155 = arith.constant 3 : i32
        %parallel_loop3A_156 = arith.index_cast %parallel_loop3A_155 : i32 to index
        %parallel_loop3A_157 = arith.index_cast %parallel_loop3A_140 : i32 to index
        %parallel_loop3A_158 = tpu.vector_load %run_scoped3A_93[%parallel_loop3A_156, %parallel_loop3A_157] {strides = array<i32>} : memref<24x4096xf32, #tpu.memory_space<vmem>>, vector<16xf32>,
        %parallel_loop3A_159 = arith.addf %parallel_loop3A_154, %parallel_loop3A_158 : vector<16xf32>
        %parallel_loop3A_160 = arith.constant 4 : i32
        %parallel_loop3A_161 = arith.index_cast %parallel_loop3A_160 : i32 to index
        %parallel_loop3A_162 = arith.index_cast %parallel_loop3A_140 : i32 to index
        %parallel_loop3A_163 = tpu.vector_load %run_scoped3A_93[%parallel_loop3A_161, %parallel_loop3A_162] {strides = array<i32>} : memref<24x4096xf32, #tpu.memory_space<vmem>>, vector<16xf32>,
        %parallel_loop3A_164 = arith.addf %parallel_loop3A_159, %parallel_loop3A_163 : vector<16xf32>
        %parallel_loop3A_165 = arith.constant 5 : i32
        %parallel_loop3A_166 = arith.index_cast %parallel_loop3A_165 : i32 to index
        %parallel_loop3A_167 = arith.index_cast %parallel_loop3A_140 : i32 to index
        %parallel_loop3A_168 = tpu.vector_load %run_scoped3A_93[%parallel_loop3A_166, %parallel_loop3A_167] {strides = array<i32>} : memref<24x4096xf32, #tpu.memory_space<vmem>>, vector<16xf32>,
        %parallel_loop3A_169 = arith.addf %parallel_loop3A_164, %parallel_loop3A_168 : vector<16xf32>
        %parallel_loop3A_170 = arith.constant 6 : i32
        %parallel_loop3A_171 = arith.index_cast %parallel_loop3A_170 : i32 to index
        %parallel_loop3A_172 = arith.index_cast %parallel_loop3A_140 : i32 to index
        %parallel_loop3A_173 = tpu.vector_load %run_scoped3A_93[%parallel_loop3A_171, %parallel_loop3A_172] {strides = array<i32>} : memref<24x4096xf32, #tpu.memory_space<vmem>>, vector<16xf32>,
        %parallel_loop3A_174 = arith.addf %parallel_loop3A_169, %parallel_loop3A_173 : vector<16xf32>
        %parallel_loop3A_175 = arith.constant 7 : i32
        %parallel_loop3A_176 = arith.index_cast %parallel_loop3A_175 : i32 to index
        %parallel_loop3A_177 = arith.index_cast %parallel_loop3A_140 : i32 to index
        %parallel_loop3A_178 = tpu.vector_load %run_scoped3A_93[%parallel_loop3A_176, %parallel_loop3A_177] {strides = array<i32>} : memref<24x4096xf32, #tpu.memory_space<vmem>>, vector<16xf32>,
        %parallel_loop3A_179 = arith.addf %parallel_loop3A_174, %parallel_loop3A_178 : vector<16xf32>
        %parallel_loop3A_180 = arith.constant 8 : i32
        %parallel_loop3A_181 = arith.index_cast %parallel_loop3A_180 : i32 to index
        %parallel_loop3A_182 = arith.index_cast %parallel_loop3A_140 : i32 to index
        %parallel_loop3A_183 = tpu.vector_load %run_scoped3A_93[%parallel_loop3A_181, %parallel_loop3A_182] {strides = array<i32>} : memref<24x4096xf32, #tpu.memory_space<vmem>>, vector<16xf32>,
        %parallel_loop3A_184 = arith.addf %parallel_loop3A_179, %parallel_loop3A_183 : vector<16xf32>
        %parallel_loop3A_185 = arith.index_cast %parallel_loop3A_140 : i32 to index
        %parallel_loop3A_186 = tpu.vector_load %run_scoped3A_94[%parallel_loop3A_185] {strides = array<i32>} : memref<4096xf32, #tpu.memory_space<vmem>>, vector<16xf32>,
        tpu.vector_store %run_scoped3A_94[%parallel_loop3A_185], %parallel_loop3A_184 {strides = array<i32>} : memref<4096xf32, #tpu.memory_space<vmem>>, vector<16xf32>,
      } {sc.loop_unroll_factor = 4 : i64, sc.parallel_access}
      %parallel_loop3A_101 = arith.constant 0 : i32
      %parallel_loop3A_102 = arith.constant 256 : i32
      %parallel_loop3A_103 = arith.constant 1 : i32
      scf.for %parallel_loop3A_138 = %parallel_loop3A_101 to %parallel_loop3A_102 step %parallel_loop3A_103  : i32 {
        %parallel_loop3A_139 = arith.constant 16 : i32
        %parallel_loop3A_140 = arith.muli %parallel_loop3A_138, %parallel_loop3A_139 : i32
        %parallel_loop3A_141 = arith.index_cast %parallel_loop3A_140 : i32 to index
        %parallel_loop3A_142 = tpu.vector_load %arg9[%parallel_loop3A_141] {strides = array<i32>} : memref<4096xi32, #tpu.memory_space<vmem>>, vector<16xi32>,
        %parallel_loop3A_143 = tpu.vector_load_idx %run_scoped3A_94[%parallel_loop3A_142] : memref<4096xf32, #tpu.memory_space<vmem>>[vector<16xi32>], vector<16xf32>,
        %parallel_loop3A_144 = arith.index_cast %parallel_loop3A_140 : i32 to index
        %parallel_loop3A_145 = tpu.vector_load %arg12[%parallel_loop3A_144] {strides = array<i32>} : memref<4096xf32, #tpu.memory_space<vmem>>, vector<16xf32>,
        %parallel_loop3A_146 = arith.addf %parallel_loop3A_143, %parallel_loop3A_145 : vector<16xf32>
        %parallel_loop3A_147 = vector.broadcast %run_scoped3A : f32 to vector<16xf32>
        %parallel_loop3A_148 = arith.mulf %parallel_loop3A_146, %parallel_loop3A_147 : vector<16xf32>
        %parallel_loop3A_149 = arith.index_cast %parallel_loop3A_140 : i32 to index
        %parallel_loop3A_150 = tpu.vector_load %arg12[%parallel_loop3A_149] {strides = array<i32>} : memref<4096xf32, #tpu.memory_space<vmem>>, vector<16xf32>,
        tpu.vector_store %arg12[%parallel_loop3A_149], %parallel_loop3A_148 {strides = array<i32>} : memref<4096xf32, #tpu.memory_space<vmem>>, vector<16xf32>,
      } {sc.loop_unroll_factor = 4 : i64, sc.parallel_access}
      %add3A_104 = arith.constant 0 : i32
      %add3A_105 = arith.addi %mul3A_2, %add3A_104 : i32
      %dma_start3A_106 = arith.constant 0 : i32
      %dma_start3A_107 = tpu.memref_slice %arg8[%add3A_105, %dma_start3A_106] : memref<64x4096xf32, #tpu.memory_space<hbm>> -> memref<1x4096xf32, #tpu.memory_space<hbm>>
      %dma_start3A_108 = tpu.memref_squeeze %dma_start3A_107 : memref<1x4096xf32, #tpu.memory_space<hbm>> -> memref<4096xf32, #tpu.memory_space<hbm>>
      %dma_start3A_109 = arith.constant 0 : i32
      %dma_start3A_110 = tpu.memref_slice %arg8[%add3A_105, %dma_start3A_109] : memref<64x4096xf32, #tpu.memory_space<hbm>> -> memref<1x4096xf32, #tpu.memory_space<hbm>>
      %dma_start3A_111 = tpu.memref_squeeze %dma_start3A_110 : memref<1x4096xf32, #tpu.memory_space<hbm>> -> memref<4096xf32, #tpu.memory_space<hbm>>
      tpu.enqueue_dma source(%arg12 : memref<4096xf32, #tpu.memory_space<vmem>>) target(%dma_start3A_111 : memref<4096xf32, #tpu.memory_space<hbm>>) target_semaphore(%arg18 : memref<!tpu.dma_semaphore, #tpu.memory_space<semaphore_mem>>)
      %parallel_loop3A_112 = arith.constant 0 : i32
      %parallel_loop3A_113 = arith.constant 256 : i32
      %parallel_loop3A_114 = arith.constant 1 : i32
      scf.for %parallel_loop3A_138 = %parallel_loop3A_112 to %parallel_loop3A_113 step %parallel_loop3A_114  : i32 {
        %parallel_loop3A_139 = arith.constant 16 : i32
        %parallel_loop3A_140 = arith.muli %parallel_loop3A_138, %parallel_loop3A_139 : i32
        %parallel_loop3A_141 = arith.constant 9 : i32
        %parallel_loop3A_142 = arith.index_cast %parallel_loop3A_141 : i32 to index
        %parallel_loop3A_143 = arith.index_cast %parallel_loop3A_140 : i32 to index
        %parallel_loop3A_144 = tpu.vector_load %run_scoped3A_93[%parallel_loop3A_142, %parallel_loop3A_143] {strides = array<i32>} : memref<24x4096xf32, #tpu.memory_space<vmem>>, vector<16xf32>,
        %parallel_loop3A_145 = arith.constant 10 : i32
        %parallel_loop3A_146 = arith.index_cast %parallel_loop3A_145 : i32 to index
        %parallel_loop3A_147 = arith.index_cast %parallel_loop3A_140 : i32 to index
        %parallel_loop3A_148 = tpu.vector_load %run_scoped3A_93[%parallel_loop3A_146, %parallel_loop3A_147] {strides = array<i32>} : memref<24x4096xf32, #tpu.memory_space<vmem>>, vector<16xf32>,
        %parallel_loop3A_149 = arith.addf %parallel_loop3A_144, %parallel_loop3A_148 : vector<16xf32>
        %parallel_loop3A_150 = arith.constant 11 : i32
        %parallel_loop3A_151 = arith.index_cast %parallel_loop3A_150 : i32 to index
        %parallel_loop3A_152 = arith.index_cast %parallel_loop3A_140 : i32 to index
        %parallel_loop3A_153 = tpu.vector_load %run_scoped3A_93[%parallel_loop3A_151, %parallel_loop3A_152] {strides = array<i32>} : memref<24x4096xf32, #tpu.memory_space<vmem>>, vector<16xf32>,
        %parallel_loop3A_154 = arith.addf %parallel_loop3A_149, %parallel_loop3A_153 : vector<16xf32>
        %parallel_loop3A_155 = arith.constant 12 : i32
        %parallel_loop3A_156 = arith.index_cast %parallel_loop3A_155 : i32 to index
        %parallel_loop3A_157 = arith.index_cast %parallel_loop3A_140 : i32 to index
        %parallel_loop3A_158 = tpu.vector_load %run_scoped3A_93[%parallel_loop3A_156, %parallel_loop3A_157] {strides = array<i32>} : memref<24x4096xf32, #tpu.memory_space<vmem>>, vector<16xf32>,
        %parallel_loop3A_159 = arith.addf %parallel_loop3A_154, %parallel_loop3A_158 : vector<16xf32>
        %parallel_loop3A_160 = arith.constant 13 : i32
        %parallel_loop3A_161 = arith.index_cast %parallel_loop3A_160 : i32 to index
        %parallel_loop3A_162 = arith.index_cast %parallel_loop3A_140 : i32 to index
        %parallel_loop3A_163 = tpu.vector_load %run_scoped3A_93[%parallel_loop3A_161, %parallel_loop3A_162] {strides = array<i32>} : memref<24x4096xf32, #tpu.memory_space<vmem>>, vector<16xf32>,
        %parallel_loop3A_164 = arith.addf %parallel_loop3A_159, %parallel_loop3A_163 : vector<16xf32>
        %parallel_loop3A_165 = arith.constant 14 : i32
        %parallel_loop3A_166 = arith.index_cast %parallel_loop3A_165 : i32 to index
        %parallel_loop3A_167 = arith.index_cast %parallel_loop3A_140 : i32 to index
        %parallel_loop3A_168 = tpu.vector_load %run_scoped3A_93[%parallel_loop3A_166, %parallel_loop3A_167] {strides = array<i32>} : memref<24x4096xf32, #tpu.memory_space<vmem>>, vector<16xf32>,
        %parallel_loop3A_169 = arith.addf %parallel_loop3A_164, %parallel_loop3A_168 : vector<16xf32>
        %parallel_loop3A_170 = arith.constant 15 : i32
        %parallel_loop3A_171 = arith.index_cast %parallel_loop3A_170 : i32 to index
        %parallel_loop3A_172 = arith.index_cast %parallel_loop3A_140 : i32 to index
        %parallel_loop3A_173 = tpu.vector_load %run_scoped3A_93[%parallel_loop3A_171, %parallel_loop3A_172] {strides = array<i32>} : memref<24x4096xf32, #tpu.memory_space<vmem>>, vector<16xf32>,
        %parallel_loop3A_174 = arith.addf %parallel_loop3A_169, %parallel_loop3A_173 : vector<16xf32>
        %parallel_loop3A_175 = arith.constant 16 : i32
        %parallel_loop3A_176 = arith.index_cast %parallel_loop3A_175 : i32 to index
        %parallel_loop3A_177 = arith.index_cast %parallel_loop3A_140 : i32 to index
        %parallel_loop3A_178 = tpu.vector_load %run_scoped3A_93[%parallel_loop3A_176, %parallel_loop3A_177] {strides = array<i32>} : memref<24x4096xf32, #tpu.memory_space<vmem>>, vector<16xf32>,
        %parallel_loop3A_179 = arith.addf %parallel_loop3A_174, %parallel_loop3A_178 : vector<16xf32>
        %parallel_loop3A_180 = arith.constant 17 : i32
        %parallel_loop3A_181 = arith.index_cast %parallel_loop3A_180 : i32 to index
        %parallel_loop3A_182 = arith.index_cast %parallel_loop3A_140 : i32 to index
        %parallel_loop3A_183 = tpu.vector_load %run_scoped3A_93[%parallel_loop3A_181, %parallel_loop3A_182] {strides = array<i32>} : memref<24x4096xf32, #tpu.memory_space<vmem>>, vector<16xf32>,
        %parallel_loop3A_184 = arith.addf %parallel_loop3A_179, %parallel_loop3A_183 : vector<16xf32>
        %parallel_loop3A_185 = arith.index_cast %parallel_loop3A_140 : i32 to index
        %parallel_loop3A_186 = tpu.vector_load %run_scoped3A_94[%parallel_loop3A_185] {strides = array<i32>} : memref<4096xf32, #tpu.memory_space<vmem>>, vector<16xf32>,
        tpu.vector_store %run_scoped3A_94[%parallel_loop3A_185], %parallel_loop3A_184 {strides = array<i32>} : memref<4096xf32, #tpu.memory_space<vmem>>, vector<16xf32>,
      } {sc.loop_unroll_factor = 4 : i64, sc.parallel_access}
      %parallel_loop3A_115 = arith.constant 0 : i32
      %parallel_loop3A_116 = arith.constant 256 : i32
      %parallel_loop3A_117 = arith.constant 1 : i32
      scf.for %parallel_loop3A_138 = %parallel_loop3A_115 to %parallel_loop3A_116 step %parallel_loop3A_117  : i32 {
        %parallel_loop3A_139 = arith.constant 16 : i32
        %parallel_loop3A_140 = arith.muli %parallel_loop3A_138, %parallel_loop3A_139 : i32
        %parallel_loop3A_141 = arith.index_cast %parallel_loop3A_140 : i32 to index
        %parallel_loop3A_142 = tpu.vector_load %arg9[%parallel_loop3A_141] {strides = array<i32>} : memref<4096xi32, #tpu.memory_space<vmem>>, vector<16xi32>,
        %parallel_loop3A_143 = tpu.vector_load_idx %run_scoped3A_94[%parallel_loop3A_142] : memref<4096xf32, #tpu.memory_space<vmem>>[vector<16xi32>], vector<16xf32>,
        %parallel_loop3A_144 = arith.index_cast %parallel_loop3A_140 : i32 to index
        %parallel_loop3A_145 = tpu.vector_load %arg13[%parallel_loop3A_144] {strides = array<i32>} : memref<4096xf32, #tpu.memory_space<vmem>>, vector<16xf32>,
        %parallel_loop3A_146 = arith.addf %parallel_loop3A_143, %parallel_loop3A_145 : vector<16xf32>
        %parallel_loop3A_147 = vector.broadcast %run_scoped3A : f32 to vector<16xf32>
        %parallel_loop3A_148 = arith.mulf %parallel_loop3A_146, %parallel_loop3A_147 : vector<16xf32>
        %parallel_loop3A_149 = arith.index_cast %parallel_loop3A_140 : i32 to index
        %parallel_loop3A_150 = tpu.vector_load %arg13[%parallel_loop3A_149] {strides = array<i32>} : memref<4096xf32, #tpu.memory_space<vmem>>, vector<16xf32>,
        tpu.vector_store %arg13[%parallel_loop3A_149], %parallel_loop3A_148 {strides = array<i32>} : memref<4096xf32, #tpu.memory_space<vmem>>, vector<16xf32>,
      } {sc.loop_unroll_factor = 4 : i64, sc.parallel_access}
      %add3A_118 = arith.constant 1 : i32
      %add3A_119 = arith.addi %mul3A_2, %add3A_118 : i32
      %dma_start3A_120 = arith.constant 0 : i32
      %dma_start3A_121 = tpu.memref_slice %arg8[%add3A_119, %dma_start3A_120] : memref<64x4096xf32, #tpu.memory_space<hbm>> -> memref<1x4096xf32, #tpu.memory_space<hbm>>
      %dma_start3A_122 = tpu.memref_squeeze %dma_start3A_121 : memref<1x4096xf32, #tpu.memory_space<hbm>> -> memref<4096xf32, #tpu.memory_space<hbm>>
      %dma_start3A_123 = arith.constant 0 : i32
      %dma_start3A_124 = tpu.memref_slice %arg8[%add3A_119, %dma_start3A_123] : memref<64x4096xf32, #tpu.memory_space<hbm>> -> memref<1x4096xf32, #tpu.memory_space<hbm>>
      %dma_start3A_125 = tpu.memref_squeeze %dma_start3A_124 : memref<1x4096xf32, #tpu.memory_space<hbm>> -> memref<4096xf32, #tpu.memory_space<hbm>>
      tpu.enqueue_dma source(%arg13 : memref<4096xf32, #tpu.memory_space<vmem>>) target(%dma_start3A_125 : memref<4096xf32, #tpu.memory_space<hbm>>) target_semaphore(%arg18 : memref<!tpu.dma_semaphore, #tpu.memory_space<semaphore_mem>>)
      %dma_wait3A_126 = arith.constant 0 : i32
      %dma_wait3A_127 = tpu.memref_slice %arg8[%add3A_105, %dma_wait3A_126] : memref<64x4096xf32, #tpu.memory_space<hbm>> -> memref<1x4096xf32, #tpu.memory_space<hbm>>
      %dma_wait3A_128 = tpu.memref_squeeze %dma_wait3A_127 : memref<1x4096xf32, #tpu.memory_space<hbm>> -> memref<4096xf32, #tpu.memory_space<hbm>>
      %dma_wait3A_129 = arith.constant 0 : i32
      %dma_wait3A_130 = tpu.memref_slice %arg8[%add3A_105, %dma_wait3A_129] : memref<64x4096xf32, #tpu.memory_space<hbm>> -> memref<1x4096xf32, #tpu.memory_space<hbm>>
      %dma_wait3A_131 = tpu.memref_squeeze %dma_wait3A_130 : memref<1x4096xf32, #tpu.memory_space<hbm>> -> memref<4096xf32, #tpu.memory_space<hbm>>
      tpu.wait_dma2 semaphore(%arg18 : memref<!tpu.dma_semaphore, #tpu.memory_space<semaphore_mem>>) src(%arg12 : memref<4096xf32, #tpu.memory_space<vmem>>) dst(%dma_wait3A_131 : memref<4096xf32, #tpu.memory_space<hbm>>)
      %dma_wait3A_132 = arith.constant 0 : i32
      %dma_wait3A_133 = tpu.memref_slice %arg8[%add3A_119, %dma_wait3A_132] : memref<64x4096xf32, #tpu.memory_space<hbm>> -> memref<1x4096xf32, #tpu.memory_space<hbm>>
      %dma_wait3A_134 = tpu.memref_squeeze %dma_wait3A_133 : memref<1x4096xf32, #tpu.memory_space<hbm>> -> memref<4096xf32, #tpu.memory_space<hbm>>
      %dma_wait3A_135 = arith.constant 0 : i32
      %dma_wait3A_136 = tpu.memref_slice %arg8[%add3A_119, %dma_wait3A_135] : memref<64x4096xf32, #tpu.memory_space<hbm>> -> memref<1x4096xf32, #tpu.memory_space<hbm>>
      %dma_wait3A_137 = tpu.memref_squeeze %dma_wait3A_136 : memref<1x4096xf32, #tpu.memory_space<hbm>> -> memref<4096xf32, #tpu.memory_space<hbm>>
      tpu.wait_dma2 semaphore(%arg18 : memref<!tpu.dma_semaphore, #tpu.memory_space<semaphore_mem>>) src(%arg13 : memref<4096xf32, #tpu.memory_space<vmem>>) dst(%dma_wait3A_137 : memref<4096xf32, #tpu.memory_space<hbm>>)
      tpu.yield
    }) : () -> ()
    return
  }
}

</mosaic_0001>

<sc_bundles>
// kernel: kernel.3.cloned.1.call-start
scs
__scs_entry_jumppad:
0x0: {  	(pc) =	sbr.rel $0x88, $3  }
0x1: {  	(tag) =	ssettag $0x0;
	lr =	simm.s32 $0x1  }
0x2: {  	[smem:$0x3F9B] =	sst lr;
	_ =	strace $0xD0000000  }
0x3: {  	_ = 	snop  }
0x4: {  	_ = 	snop  }
0x5: {  	_ = 	snop  }
0x6: {  	_ = 	snop  }
0x7: {  	_ = 	snop  }
__scs_overlays_trampoline_lowered:
0x8: {  	[smem:$0x3FAA] =	sst s0  }
0x9: {  	[smem:$0x3FAB] =	sst s1  }
0xa: {  	[smem:$0x3FAC] =	sst s2  }
0xb: {  	[smem:$0x3FAD] =	sst s3  }
0xc: {  	[smem:$0x3FAE] =	sst s4  }
0xd: {  	[smem:$0x3FAF] =	sst s5  }
0xe: {  	[smem:$0x3FB0] =	sst s6  }
0xf: {  	[smem:$0x3FB1] =	sst s7  }
0x10: {  	[smem:$0x3FB2] =	sst s8  }
0x11: {  	[smem:$0x3FB3] =	sst s9;
	s0 =	simm.s32 @!p0 $0x0  }
0x12: {  	s1 =	sld [smem:$0x3F99];
	s0 =	simm.s32 @p0 $0x1  }
0x13: {  	[smem:$0x3FB4] =	sst s0;
	s0 =	simm.s32 @!p1 $0x0  }
0x14: {  	s2 =	sld [smem:$0x3F98];
	s0 =	simm.s32 @p1 $0x1  }
0x15: {  	[smem:$0x3FB5] =	sst s0;
	s0 =	simm.s32 @!p2 $0x0  }
0x16: {  	s3 =	sld [smem:$0x3FDB];
	s0 =	simm.s32 @p2 $0x1  }
0x17: {  	s4 =	simm.s32 $0x1BF5;
	[smem:$0x3FB7] =	sst s0  }
0x18: {  	s0 =	sld [smem:$0x3F9A];
	_ =	swait.ge [sflag:s4], $0x0  }
0x19: {  	s7 =	sld [smem:$0x3F9B]  }
0x1a: {  	s8 =	sadd.s32 $0xFFFFE003, lr  }
0x1b: {  	s9 =	sadd.s32 $0xFFFFFEF7, lr;
	s5 =	simm.s32 $0xFFFFFFFF;
	p2 =	slt.u32 s8, $0xFFFFF086  }
0x1c: {  	p1 =	slt.u32 s9, $0xF7A;
	s5 =	simm.s32 @!p2 $0x0  }
0x1d: {  	s5 =	simm.s32 @p1 $0x1;
	p0 =	seq.s32 s7, s2  }
0x1e: {  	s7 =	smul.u32 @!p0 $0xF7A, s2;
	p2 =	seq.s32 @!p0 s5, $0x0  }
0x1f: {  	s9 =	smul.u32 $0xF7A, s1;
	s8 =	simm.s32 @!p0 $0x1BF5;
	p2 =	por !p2, p0  }
0x20: {  	[sflag:s8] =	ssyncset.s32 @!p0 $0xFFFFF086;
	s6 =	sadd.s32 @!p0 s3, s7;
	s7 =	simm.s32 @!p0 $0x108  }
0x21: {  	s3 =	sadd.s32 s3, s9;
	s6 =	sadd.s32 @!p0 $0x88, s6;
	s7 =	simm.s32 @p2 $0x1082  }
0x22: {  	[simem:s7], [sflag:s8] =	dma.local @!p0 [hbm:s6], $0xF7A  }
0x23: {  	s9 =	sor.u32 $0xD0000000, s2;
	s6 =	simm.s32 $0x108;
	_ =	swait.ge @!p0 [sflag:s8], $0x0  }
0x24: {  	s3 =	sadd.s32 $0x88, s3;
	s6 =	simm.s32 @!p1 $0x1082;
	[sflag:s4] =	ssyncset.s32 $0xFFFFF086  }
0x25: {  	[simem:s6], [sflag:s4] =	dma.local [hbm:s3], $0xF7A  }
0x26: {  	[smem:$0x3F9B] =	sst s1;
	(tag) =	ssettag s2;
	_ =	strace s9  }
0x27: {  	s1 =	sld [smem:$0x3FAB]  }
0x28: {  	s2 =	sld [smem:$0x3FAC]  }
0x29: {  	s4 =	sld [smem:$0x3FAE]  }
0x2a: {  	p0 =	seq.s32 s5, $0x0;
	s5 =	sld [smem:$0x3FAF]  }
0x2b: {  	s6 =	sld [smem:$0x3FB0]  }
0x2c: {  	s7 =	sld [smem:$0x3FB1]  }
0x2d: {  	s3 =	simm.s32 $0x108;
	s8 =	sld [smem:$0x3FB2]  }
0x2e: {  	s3 =	simm.s32 @!p0 $0x1082;
	s9 =	sld [smem:$0x3FB3]  }
0x2f: {  	lr =	sadd.s32 s0, s3;
	s0 =	sld [smem:$0x3FAA]  }
0x30: {  	s3 =	sld [smem:$0x3FAD]  }
0x31: {  	[smem:$0x3FB6] =	sst s10  }
0x32: {  	s10 =	sld [smem:$0x3FB4];
	_ =	sdelay $0x3  }
0x33: {  	p0 =	seq.s32 s10, $0x1;
	s10 =	sld [smem:$0x3FB6];
	_ =	sdelay $0x3  }
0x34: {  	[smem:$0x3FB6] =	sst s10  }
0x35: {  	s10 =	sld [smem:$0x3FB5];
	_ =	sdelay $0x3  }
0x36: {  	p1 =	seq.s32 s10, $0x1;
	s10 =	sld [smem:$0x3FB6];
	_ =	sdelay $0x3  }
0x37: {  	[smem:$0x3FB6] =	sst s10  }
0x38: {  	s10 =	sld [smem:$0x3FB7]  }
0x39: {  	_ = 	snop;
	(pc) =	sbr.ind lr, $3  }
0x3a: {  	_ = 	snop  }
0x3b: {  	_ = 	snop  }
0x3c: {  	p2 =	seq.s32 s10, $0x1;
	s10 =	sld [smem:$0x3FB6]  }
0x3d: {  	_ =	shalt  }
0x3e: {  	_ =	shalt  }
0x3f: {  	_ =	shalt  }
0x40: {  	_ =	shalt  }
0x41: {  	_ =	shalt  }
0x42: {  	_ =	shalt  }
0x43: {  	_ =	shalt  }
0x44: {  	_ =	shalt  }
0x45: {  	_ =	shalt  }
0x46: {  	_ =	shalt  }
0x47: {  	_ =	shalt  }
0x48: {  	_ =	shalt  }
0x49: {  	_ =	shalt  }
0x4a: {  	_ =	shalt  }
0x4b: {  	_ =	shalt  }
0x4c: {  	_ =	shalt  }
0x4d: {  	_ =	shalt  }
0x4e: {  	_ =	shalt  }
0x4f: {  	_ =	shalt  }
0x50: {  	_ =	shalt  }
0x51: {  	_ =	shalt  }
0x52: {  	_ =	shalt  }
0x53: {  	_ =	shalt  }
0x54: {  	_ =	shalt  }
0x55: {  	_ =	shalt  }
0x56: {  	_ =	shalt  }
0x57: {  	_ =	shalt  }
0x58: {  	_ =	shalt  }
0x59: {  	_ =	shalt  }
0x5a: {  	_ =	shalt  }
0x5b: {  	_ =	shalt  }
0x5c: {  	_ =	shalt  }
0x5d: {  	_ =	shalt  }
0x5e: {  	_ =	shalt  }
0x5f: {  	_ =	shalt  }
0x60: {  	_ =	shalt  }
0x61: {  	_ =	shalt  }
0x62: {  	_ =	shalt  }
0x63: {  	_ =	shalt  }
0x64: {  	_ =	shalt  }
0x65: {  	_ =	shalt  }
0x66: {  	_ =	shalt  }
0x67: {  	_ =	shalt  }
0x68: {  	_ =	shalt  }
0x69: {  	_ =	shalt  }
0x6a: {  	_ =	shalt  }
0x6b: {  	_ =	shalt  }
0x6c: {  	_ =	shalt  }
0x6d: {  	_ =	shalt  }
0x6e: {  	_ =	shalt  }
0x6f: {  	_ =	shalt  }
0x70: {  	_ =	shalt  }
0x71: {  	_ =	shalt  }
0x72: {  	_ =	shalt  }
0x73: {  	_ =	shalt  }
0x74: {  	_ =	shalt  }
0x75: {  	_ =	shalt  }
0x76: {  	_ =	shalt  }
0x77: {  	_ =	shalt  }
0x78: {  	_ =	shalt  }
0x79: {  	_ =	shalt  }
0x7a: {  	_ =	shalt  }
0x7b: {  	_ =	shalt  }
0x7c: {  	_ =	shalt  }
0x7d: {  	_ =	shalt  }
0x7e: {  	_ =	shalt  }
0x7f: {  	_ =	shalt  }
0x80: {  	_ =	shalt  }
0x81: {  	_ =	shalt  }
0x82: {  	_ =	shalt  }
0x83: {  	_ =	shalt  }
0x84: {  	_ =	shalt  }
0x85: {  	_ =	shalt  }
0x86: {  	_ =	shalt  }
0x87: {  	_ =	shalt  }
.Lfunc_end0:
.L_simem_size_0:
called_computation_lowered:
.L_overlay_start_0:
0x88: {  	s2 =	sld [smem:$0x3FD9]  }
0x89: {  	s3 =	sld [smem:$0x3FFE];
	_ =	sdelay $0x1  }
0x8a: {  	s1 =	srdreg.scid  }
0x8b: {  	s0 =	sand.u32 $0x1, s1  }
0x8c: {  	s17 =	sshll.u32 s0, $0xA;
	s2 =	sadd.s32 s3, s2  }
0x8d: {  	s2 =	sadd.s32 s2, s17  }
0x8e: {  	[smem:$0x3FC2] =	sst s2  }
0x8f: {  	_ = 	snop  }
0x90: {  	s2 =	sld [smem:$0x3FC9]  }
0x91: {  	s18 =	sld [smem:$0x3FC8]  }
0x92: {  	s4 =	sld [smem:$0x3FC7]  }
0x93: {  	s5 =	sld [smem:$0x3FC6]  }
0x94: {  	s6 =	sld [smem:$0x3FC5]  }
0x95: {  	s7 =	sld [smem:$0x3FD0];
	(tm) =	ssettm $0x1  }
0x96: {  	s8 =	sld [smem:$0x3FFB];
	_ =	sdelay $0x3  }
0x97: {  	_ =	strace s8  }
0x98: {  	s8 =	sld [smem:$0x3FFC];
	_ =	sdelay $0x3  }
0x99: {  	_ =	strace s8  }
0x9a: {  	s8 =	sld [smem:$0x3FFD];
	_ =	sdelay $0x3  }
0x9b: {  	_ =	strace s8  }
0x9c: {  	_ =	strace $0x8FFFFFFF  }
0x9d: {  	s19 =	sld [smem:$0x3FDB];
	_ =	sdelay $0x1  }
0x9e: {  	s9 =	simm.s32 $_scs_section_size  }
0x9f: {  	s10 =	simm.s32 $_size__tile_overlayer_lowered;
	s11 =	simm.s32 $_tile_overlayer_lowered  }
0xa0: {  	s22 =	simm.s32 $0x1BFF;
	s21 =	sshll.u32 s11, $0x1;
	s8 =	sadd.s32 s9, s19  }
0xa1: {  	s12 =	simm.s32 $0x0;
	s20 =	sshll.u32 s10, $0x1;
	s10 =	sadd.s32 s21, s8  }
0xa2: {  	[timem:s12], [sflag:s22] =	dma.local [hbm:s10], s20  }
0xa3: {  	_ =	swait.ge [sflag:s22], s20  }
0xa4: {  	s9 =	ssub.s32 $0x0, s20;
	[sflag:s22] =	ssyncset.done $0x0  }
0xa5: {  	[sflag:s22] =	ssyncadd.s32 s9;
	_ =	sdelay $0x1  }
0xa6: {  	s23 =	simm.s32 $0x1B8B  }
0xa7: {  	_ =	swait.ge [sflag:s23], $0x1  }
0xa8: {  	[sflag:s23] =	ssyncset.done $0x0  }
0xa9: {  	s25 =	simm.s32 $0x1B8E;
	s24 =	sld [smem:$0x3FFE];
	[sflag:s23] =	ssyncadd.s32 $0xFFFFFFFF  }
0xaa: {  	s26 =	simm.s32 $execute0_lowered;
	[smem:$0x3FD2] =	sst s25  }
0xab: {  	s10 =	sshll.u32 s26, $0x1;
	_ =	strace $0x80000046;
	[dreg:$0x1] =	wrdreg $0xFFFFFFFF  }
0xac: {  	s28 =	simm.s32 $_size_execute0_lowered;
	s8 =	sadd.s32 s8, s10;
	[dreg:$0x0] =	wrdreg $0x0  }
0xad: {  	s10 =	sshll.u32 s28, $0x1;
	[dreg:$0x2] =	wrdreg s8  }
0xae: {  	[dreg:$0x3] =	wrdreg s10  }
0xaf: {  	[dreg:$0x4] =	wrdreg $0xC0  }
0xb0: {  	_ =	task [dreg:s12], $0x5FFFF  }
0xb1: {  	[dreg:$0x1] =	wrdreg $0xFFFFFFFF  }
0xb2: {  	[dreg:$0x0] =	wrdreg $0x60  }
0xb3: {  	[dreg:$0x2] =	wrdreg s2  }
0xb4: {  	[dreg:$0x3] =	wrdreg s18  }
0xb5: {  	[dreg:$0x4] =	wrdreg s4  }
0xb6: {  	[dreg:$0x5] =	wrdreg s5  }
0xb7: {  	[dreg:$0x6] =	wrdreg s6  }
0xb8: {  	[dreg:$0x7] =	wrdreg s24  }
0xb9: {  	[dreg:$0x8] =	wrdreg s7  }
0xba: {  	[dreg:$0x9] =	wrdreg $0x9  }
0xbb: {  	_ =	task.clear_ibuf [dreg:s12], $0xAFFFF;
	_ =	strace $0x90000046  }
0xbc: {  	s29 =	simm.s32 $0x9;
	_ =	strace $0x80000048  }
0xbd: {  	_ =	swait.ge [sflag:s29], $0x1  }
0xbe: {  	[sflag:s29] =	ssyncadd.s32 $0xFFFFFFFF  }
0xbf: {  	_ =	strace $0x90000048  }
0xc0: {  	_ =	sfence  }
0xc1: {  	s30 =	sld [smem:$0x0];
	_ =	sdelay $0x2  }
0xc2: {  	s31 =	sshll.u32 s1, $0xD;
	s1 =	sshrl.u32 s1, $0x2  }
0xc3: {  	s3 =	sand.u32 $0x4000, s31;
	s1 =	sadd.s32 s1, s30  }
0xc4: {  	s0 =	sor.u32 s3, s0;
	s1 =	sshll.u32 s1, $0x11  }
0xc5: {  	s0 =	sor.u32 s1, s0  }
0xc6: {  	s0 =	sadd.s32 $0x8F2B, s0  }
0xc7: {  	[sflag:s0] =	ssyncadd.remote.s32 $0x1  }
0xc8: {  	_ =	sfence.sel $0xFFFF  }
0xc9: {  	[dreg:$0x0] =	wrdreg $0xFFFFFFFF;
	(pc) =	sbr.abs _section_cstart, $3  }
0xca: {  	[dreg:$0x1] =	wrdreg $0xFFFFFFFF  }
0xcb: {  	_ =	task.clear_ibuf [dreg:s12], $0x2FFFF;
	_ =	strace $0x9FFFFFFF  }
0xcc: {  	(tm) =	ssettm $0x7FFFFFFF  }
0xcd: {  	_ =	shalt  }
tec
execute0_lowered:
.L_overlay_start_1:
0x0: {  	(tag) =	ssettag $0x1  }
0x1: {  	s11 =	rddreg [dreg:$0x0]  }
0x2: {  	s2 =	rddreg [dreg:$0x1]  }
0x3: {  	s3 =	rddreg [dreg:$0x5]  }
0x4: {  	s4 =	rddreg [dreg:$0x6];
	s12 =	simm.s32 $0x0  }
0x5: {  	[smem:$0x7FF] =	sst s12;
	s3 =	sadd.s32 $0x400, s3  }
0x6: {  	s14 =	sadd.s32 $0x100, s11;
	_ =	strace $0x80000047;
	[dreg:$0x8] =	wrdreg s3  }
0x7: {  	s15 =	sadd.s32 $0x200, s11;
	[dreg:$0xb] =	wrdreg s14  }
0x8: {  	s16 =	sadd.s32 $0x300, s11;
	[dreg:$0xc] =	wrdreg s15  }
0x9: {  	s0 =	srdreg.scid;
	s17 =	sadd.s32 $0x400, s11;
	[dreg:$0xd] =	wrdreg s16  }
0xa: {  	s6 =	stileid.u32;
	s18 =	sadd.s32 $0x500, s11;
	[dreg:$0xe] =	wrdreg s17  }
0xb: {  	s5 =	sand.u32 $0x1, s0;
	s19 =	sadd.s32 $0x600, s11;
	[dreg:$0xf] =	wrdreg s18  }
0xc: {  	s29 =	sshll.u32 s6, $0x2;
	s20 =	sadd.s32 $0x700, s11;
	[dreg:$0x10] =	wrdreg s19  }
0xd: {  	s6 =	sshrl.u32 s6, $0x1;
	s21 =	sadd.s32 $0x800, s11;
	[dreg:$0x11] =	wrdreg s20  }
0xe: {  	s23 =	sadd.s32 $0x900, s11;
	s24 =	sadd.s32 $0xA00, s11;
	[dreg:$0x12] =	wrdreg s21  }
0xf: {  	s25 =	sadd.s32 $0xB00, s11;
	s28 =	sadd.s32 $0xC00, s11;
	[dreg:$0x13] =	wrdreg s23  }
0x10: {  	s1 =	sshll.u32 s5, $0x1;
	s8 =	smul.u32 $0xC3800, s6;
	[dreg:$0x14] =	wrdreg s24  }
0x11: {  	s5 =	ssub.s32 $0x2, s5;
	s22 =	sshll.u32 s6, $0xF;
	[dreg:$0x17] =	wrdreg s25  }
0x12: {  	[dreg:$0x19] =	wrdreg s28;
	s18 =	simm.s32 $0x80;
	s19 =	simm.s32 $0x400  }
0x13: {  	s0 =	sor.u32 s1, s29;
	s10 =	sshrl.u32 s5, $0x1;
	s29 =	sadd.s32 $0xD00, s11  }
0x14: {  	s1 =	sor.u32 $0x1, s0;
	s7 =	sshll.u32 s0, $0x7;
	s5 =	ssub.s32 s5, s10  }
0x15: {  	v2 =	vimm.s32 $0x76543210;
	v3 =	vimm.s32 $0x65432108;
	[dreg:$0x1a] =	wrdreg s29;
	s9 =	sshll.u32 s1, $0x7;
	s30 =	sand.u32 $0x300, s7  }
0x16: {  	vm0 =	vmmov $0x1ff;
	v4 =	vimm.s32 $0xFFEDCBA9;
	v5 =	vimm.s32 $0x87654321;
	s26 =	smax.u32 s5, $0x1;
	s5 =	simm.s32 $0x5100;
	s31 =	sand.u32 $0x380, s9  }
0x17: {  	v6 =	vimm.s32 $0x807;
	v2 =	vunpack.c.l.s4.s8 v2;
	v3 =	vunpack.c.l.s4.s8 v3;
	s13 =	sor.u32 s8, s30;
	s3 =	sor.u32 s22, s30;
	[dreg:$0x18] =	wrdreg s26  }
0x18: {  	vm1 =	vmmov $0xffff;
	v4 =	vunpack.c.l.s4.s8 v4;
	v5 =	vunpack.c.l.s4.s8 v5;
	s30 =	sadd.s32 $0xE00, s11;
	s8 =	sor.u32 s8, s31;
	s9 =	sshrl.u32 s13, $0x3  }
0x19: {  	v6 =	vunpack.c.0.s8.s32 v6;
	v2 =	vunpack.c.0.s8.s32 v2;
	v3 =	vunpack.c.0.s8.s32 v3;
	s3 =	sshrl.u32 s3, $0x3;
	[dreg:$0x1b] =	wrdreg s30;
	s9 =	sadd.s32 s2, s9  }
0x1a: {  	v7 =	vunpack.c.0.s8.s32 v4;
	v5 =	vunpack.c.0.s8.s32 v5;
	v4 =	vlaneseq.u32;
	s8 =	sshrl.u32 s8, $0x3;
	s3 =	sadd.s32 s4, s3;
	[dreg:$0x9] =	wrdreg s9  }
0x1b: {  	v8 =	vor.u32 $0x8, v4;
	v1 =	vmov s1;
	v2 =	vcombine.low v2, v3;
	s7 =	simm.s32 $0x1D100;
	s2 =	sadd.s32 s2, s8;
	[dreg:$0x15] =	wrdreg s3  }
0x1c: {  	v5 =	vcombine.low v5, v7;
	v0 =	vsel vm0, s0, v1;
	vm0 =	vcmask $0x328;
	s3 =	simm.s32 $0x4;
	[dreg:$0xa] =	wrdreg s2;
	s2 =	sor.u32 s22, s31  }
0x1d: {  	v7 =	vshrl.u32 v4, $0x3;
	v1 =	vsel vm0, s0, v1;
	vm0 =	vcmask $0x1F00;
	s9 =	simm.s32 $0x1E800;
	s31 =	sadd.s32 $0xF00, s11;
	s2 =	sshrl.u32 s2, $0x3  }
0x1e: {  	v7 =	vmul.u32 $0x8, v7;
	v3 =	vnsel vm0, $0x0, v3;
	vm0 =	vcmask $0x2F20;
	s11 =	simm.s32 $0x1;
	[dreg:$0x1c] =	wrdreg s31;
	s2 =	sadd.s32 s4, s2  }
0x1f: {  	v3 =	vsel vm0, v6, v3;
	vm0 =	vcmask $0x3F3C;
	v6 =	vand.u32 $0x7, v4;
	s4 =	simm.s32 $0x0;
	[dreg:$0x16] =	wrdreg s2;
	s2 =	simm.s32 $0x1D800  }
.LBB2_1:
0x20: {  	[dreg:$0x1d] =	wrdreg s4  }
0x21: {  	s0 =	rddreg [dreg:$0x3]  }
0x22: {  	[tilespmem:s12], [sflag:$0x4] =	stream.linear.gather [hbm4b:s0+s12], $0x1000, $0x38;
	[tilespmem:$0x1F800] =	vst v63  }
0x23: {  	_ =	swait.ge [sflag:s3], $0x1000  }
0x24: {  	[sflag:s3] =	ssyncset.done $0x0  }
0x25: {  	s1 =	simm.s32 $0x5000;
	s30 =	rddreg [dreg:$0x8];
	[sflag:s3] =	ssyncadd.s32 $0xFFFFF000  }
0x26: {  	[tilespmem:s1], [sflag:$0x4] =	stream.linear.gather [hbm4b:s30+s12], $0x80, $0x38;
	[tilespmem:$0x1F800] =	vst v63  }
0x27: {  	_ =	swait.ge [sflag:s3], $0x80  }
0x28: {  	[sflag:s3] =	ssyncset.done $0x0  }
0x29: {  	[sflag:s3] =	ssyncadd.s32 $0xFFFFFF80  }
0x2a: {  	v9 =	vld [tilespmem:$0x5000];
	_ =	sdelay $0x4  }
0x2b: {  	v10 =	vperm.xlane v9, v2  }
0x2c: {  	v9 =	vperm.xlane v9, v3  }
0x2d: {  	v10 =	vadd.s32 v0, v10  }
0x2e: {  	v9 =	vadd.s32 v1, v9;
	[tilespmem:$0x5080] =	vst v10  }
0x2f: {  	s0 =	simm.s32 $0x0;
	s1 =	simm.s32 $0x0;
	s31 =	rddreg [dreg:$0x9];
	[tilespmem:$0x5088] =	vst v9  }
0x30: {  	[tilespmem:s5], [sflag:$0x1] =	stream.strided.gather [hbm4b:s31+s18], $0x18700, s19, s18, $0x38;
	[tilespmem:$0x1F800] =	vst v63  }
.LBB2_2:
0x31: {  	v9 =	vld [tilespmem:s0+$0x0];
	_ =	sdelay $0x4  }
0x32: {  	v10 =	vor.u32 s1, v4;
	v9 =	vshll.u32 v9, $0xC  }
0x33: {  	v9 =	vadd.s32 v10, v9  }
0x34: {  	v9 =	vxor.u32 $0x80000000, v9  }
0x35: {  	(xrf1) =	vsort.ascd.msk.u32 $0xffff, v9, v10;
	_ =	sdelay $0xd  }
0x36: {  	v9, _, _ =	vpop (xrf1)  }
0x37: {  	v10 =	vshrl.u32 v9, $0xC  }
0x38: {  	v11 =	vxor.u32 $0x80000, v10  }
0x39: {  	v12 =	vperm.xlane v11, v5;
	_ =	sdelay $0x1  }
0x3a: {  	vm2 =	vne.s32 v11, v12  }
0x3b: {  	v10 =	vand.u32 $0x7F, v10;
	v11 =	vand.u32 $0xFFF80, v11;
	vm2 =	vmor vm2, vm0  }
0x3c: {  	p0 =	sne.s32 s1, $0xFF0;
	v10 =	vor.u32 v10, v11  }
.Ltmp0:
0x3d: {  	_ = 	snop;
	(pc) =	sbr.rel @p0 .LBB2_2-.Ltmp0, $3  }
0x3e: {  	_ =	sdelay $0x1  }
0x3f: {  	v9 =	vand.u32 $0xFFF, v9  }
0x40: {  	s0 =	sadd.s32 $0x10, s0;
	s1 =	sadd.s32 $0x10, s1;
	[tilespmem:v10+s2+$0x0] =	vst.idx.msk vm2, v9  }
0x41: {  	s0 =	simm.s32 $0x20  }
0x42: {  	v9 =	vld [tilespmem:s0+$0x10];
	_ =	sdelay $0x1  }
0x43: {  	v11 =	vld [tilespmem:s0+$0xFFFFFFE0]  }
0x44: {  	v12 =	vld [tilespmem:s0+$0xFFFFFFF0]  }
0x45: {  	s31 =	simm.s32 $0x60;
	v13 =	vld [tilespmem:s0+$0x0]  }
0x46: {  	v16 =	vld [tilespmem:s31+$0x10]  }
0x47: {  	v10 =	vld [tilespmem:s31+$0xFFFFFFF0]  }
0x48: {  	v15 =	vld [tilespmem:s31+$0xFFFFFFE0]  }
0x49: {  	v17 =	vld.idx.msk [tilespmem:v9+s2+$0x0], $0xffff  }
0x4a: {  	v9 =	vld [tilespmem:s31+$0x0]  }
0x4b: {  	v14 =	vld.idx.msk [tilespmem:v11+s2+$0x0], $0xffff  }
0x4c: {  	v11 =	vld.idx.msk [tilespmem:v12+s2+$0x0], $0xffff  }
0x4d: {  	s0 =	simm.s32 $0x1020;
	v12 =	vld.idx.msk [tilespmem:v13+s2+$0x0], $0xffff  }
0x4e: {  	s1 =	simm.s32 $0x4;
	s4 =	simm.s32 $0xA0;
	v13 =	vld.idx.msk [tilespmem:v16+s2+$0x0], $0xffff;
	[tilespmem:s0+$0x10] =	vst v17  }
.LBB2_4:
0x4f: {  	v16 =	vld [tilespmem:s4+$0x10];
	s1 =	sadd.s32 $0x4, s1  }
0x50: {  	v17 =	vld [tilespmem:s4+$0xFFFFFFF0];
	p0 =	slt.u32 s1, $0xFC;
	[tilespmem:s0+$0xFFFFFFE0] =	vst v14  }
0x51: {  	v18 =	vld [tilespmem:s4+$0x0];
	[tilespmem:s0+$0xFFFFFFF0] =	vst v11  }
0x52: {  	v19 =	vld [tilespmem:s4+$0xFFFFFFE0];
	[tilespmem:s0+$0x0] =	vst v12  }
.Ltmp1:
0x53: {  	s0 =	sadd.s32 $0x40, s0;
	v14 =	vld.idx.msk [tilespmem:v15+s2+$0x0], $0xffff;
	(pc) =	sbr.rel @p0 .LBB2_4-.Ltmp1, $4  }
0x54: {  	v11 =	vld.idx.msk [tilespmem:v10+s2+$0x0], $0xffff;
	[tilespmem:s0+$0x10] =	vst v13  }
0x55: {  	v12 =	vld.idx.msk [tilespmem:v9+s2+$0x0], $0xffff;
	v10 =	vmov v17  }
0x56: {  	v9 =	vmov v18  }
0x57: {  	s4 =	sadd.s32 $0x40, s4;
	v13 =	vld.idx.msk [tilespmem:v16+s2+$0x0], $0xffff;
	v15 =	vmov v19  }
0x58: {  	_ =	sdelay $0x3  }
0x59: {  	v15 =	vld.idx.msk [tilespmem:v15+s2+$0x0], $0xffff  }
0x5a: {  	[tilespmem:s0+$0xFFFFFFE0] =	vst v14;
	v10 =	vld.idx.msk [tilespmem:v10+s2+$0x0], $0xffff  }
0x5b: {  	v9 =	vld.idx.msk [tilespmem:v9+s2+$0x0], $0xffff;
	[tilespmem:s0+$0xFFFFFFF0] =	vst v11  }
0x5c: {  	s29 =	sadd.s32 $0x40, s0;
	[tilespmem:s0+$0x0] =	vst v12  }
0x5d: {  	[tilespmem:s29+$0x10] =	vst v13  }
0x5e: {  	[tilespmem:s29+$0xFFFFFFE0] =	vst v15  }
0x5f: {  	[tilespmem:s29+$0xFFFFFFF0] =	vst v10  }
0x60: {  	s30 =	rddreg [dreg:$0x4];
	[tilespmem:s29+$0x0] =	vst v9  }
0x61: {  	[tilespmem:s2], [sflag:$0x4] =	stream.linear.gather [hbm4b:s30+s12], $0x1000, $0x38;
	[tilespmem:$0x1F800] =	vst v63  }
0x62: {  	_ =	swait.ge [sflag:s3], $0x1000  }
0x63: {  	[sflag:s3] =	ssyncset.done $0x0  }
0x64: {  	[sflag:s3] =	ssyncadd.s32 $0xFFFFF000  }
0x65: {  	s31 =	rddreg [dreg:$0x2]  }
0x66: {  	[tilespmem:s9], [sflag:$0x4] =	stream.linear.gather [hbm4b:s31+s12], $0x1000, $0x38;
	[tilespmem:$0x1F800] =	vst v63  }
0x67: {  	_ =	swait.ge [sflag:s3], $0x1000  }
0x68: {  	[sflag:s3] =	ssyncset.done $0x0  }
0x69: {  	s1 =	simm.s32 $0x1020;
	[sflag:s3] =	ssyncadd.s32 $0xFFFFF000  }
0x6a: {  	v10 =	vld [tilespmem:s1+$0xFFFFFFF0]  }
0x6b: {  	v11 =	vld [tilespmem:s1+$0x0]  }
0x6c: {  	v9 =	vld [tilespmem:s1+$0x10]  }
0x6d: {  	s0 =	simm.s32 $0x1060;
	v14 =	vld [tilespmem:s1+$0xFFFFFFE0]  }
0x6e: {  	v16 =	vld [tilespmem:s0+$0xFFFFFFF0]  }
0x6f: {  	v15 =	vld [tilespmem:s0+$0x10]  }
0x70: {  	v18 =	vld [tilespmem:s0+$0x0];
	_ =	sdelay $0x1  }
0x71: {  	v13 =	vld.idx.msk [tilespmem:v10+s9+$0x0], $0xffff  }
0x72: {  	v17 =	vld.idx.msk [tilespmem:v11+s9+$0x0], $0xffff  }
0x73: {  	v12 =	vld.idx.msk [tilespmem:v9+s9+$0x0], $0xffff  }
0x74: {  	v20 =	vld.idx.msk [tilespmem:v14+s9+$0x0], $0xffff  }
0x75: {  	s4 =	simm.s32 $0x2020;
	v22 =	vld.idx.msk [tilespmem:v16+s9+$0x0], $0xffff  }
0x76: {  	[tilespmem:s4+$0xFFFFFFF0] =	vst v13;
	v13 =	vld.idx.msk [tilespmem:v15+s9+$0x0], $0xffff  }
0x77: {  	s6 =	simm.s32 $0x10A0;
	[tilespmem:s4+$0x0] =	vst v17;
	v17 =	vld.idx.msk [tilespmem:v18+s9+$0x0], $0xffff  }
0x78: {  	[tilespmem:s4+$0x10] =	vst v12;
	v12 =	vld [tilespmem:s6+$0x10]  }
0x79: {  	v19 =	vld.idx.msk [tilespmem:v9+s2+$0x0], $0xffff  }
0x7a: {  	v9 =	vld [tilespmem:s0+$0xFFFFFFE0]  }
0x7b: {  	v21 =	vld.idx.msk [tilespmem:v10+s2+$0x0], $0xffff  }
0x7c: {  	v23 =	vld.idx.msk [tilespmem:v11+s2+$0x0], $0xffff  }
0x7d: {  	v10 =	vld [tilespmem:s6+$0xFFFFFFF0]  }
0x7e: {  	s10 =	simm.s32 $0x2060;
	v11 =	vld [tilespmem:s6+$0x0]  }
0x7f: {  	[tilespmem:s10+$0x10] =	vst v13;
	v13 =	vld [tilespmem:s6+$0xFFFFFFE0]  }
0x80: {  	[tilespmem:s4+$0xFFFFFFE0] =	vst v20;
	v24 =	vld.idx.msk [tilespmem:v15+s2+$0x0], $0xffff  }
0x81: {  	[tilespmem:s1+$0x10] =	vst v19;
	v19 =	vld.idx.msk [tilespmem:v14+s2+$0x0], $0xffff  }
0x82: {  	[tilespmem:s10+$0xFFFFFFF0] =	vst v22;
	v20 =	vld.idx.msk [tilespmem:v9+s9+$0x0], $0xffff  }
0x83: {  	[tilespmem:s10+$0x0] =	vst v17;
	v14 =	vld.idx.msk [tilespmem:v16+s2+$0x0], $0xffff  }
0x84: {  	[tilespmem:s1+$0xFFFFFFF0] =	vst v21;
	v18 =	vld.idx.msk [tilespmem:v18+s2+$0x0], $0xffff  }
0x85: {  	[tilespmem:s1+$0x0] =	vst v23;
	v17 =	vld.idx.msk [tilespmem:v12+s9+$0x0], $0xffff  }
0x86: {  	v15 =	vld.idx.msk [tilespmem:v10+s9+$0x0], $0xffff;
	[tilespmem:s0+$0x10] =	vst v24  }
0x87: {  	s8 =	simm.s32 $0x10E0;
	s4 =	simm.s32 $0x8;
	v16 =	vld.idx.msk [tilespmem:v11+s9+$0x0], $0xffff;
	[tilespmem:s10+$0xFFFFFFE0] =	vst v20  }
.LBB2_6:
0x88: {  	v20 =	vld [tilespmem:s8+$0x10];
	s4 =	sadd.s32 $0x4, s4;
	[tilespmem:s1+$0xFFFFFFE0] =	vst v19;
	s1 =	smov.u32 s0;
	s0 =	smov.u32 s6  }
0x89: {  	s10 =	sadd.s32 $0x40, s10;
	s6 =	smov.u32 s8;
	v21 =	vld [tilespmem:s8+$0xFFFFFFF0];
	p0 =	slt.u32 s4, $0xFC;
	[tilespmem:s1+$0xFFFFFFF0] =	vst v14  }
0x8a: {  	v22 =	vld [tilespmem:s8+$0x0];
	[tilespmem:s10+$0x10] =	vst v17  }
0x8b: {  	[tilespmem:s10+$0xFFFFFFF0] =	vst v15;
	v23 =	vld.idx.msk [tilespmem:v12+s2+$0x0], $0xffff  }
0x8c: {  	v24 =	vld [tilespmem:s8+$0xFFFFFFE0];
	[tilespmem:s10+$0x0] =	vst v16  }
0x8d: {  	v25 =	vld.idx.msk [tilespmem:v13+s9+$0x0], $0xffff;
	[tilespmem:s1+$0x0] =	vst v18;
	v12 =	vmov v20  }
0x8e: {  	v19 =	vld.idx.msk [tilespmem:v9+s2+$0x0], $0xffff;
	v9 =	vmov v13  }
.Ltmp2:
0x8f: {  	v14 =	vld.idx.msk [tilespmem:v10+s2+$0x0], $0xffff;
	v10 =	vmov v21;
	(pc) =	sbr.rel @p0 .LBB2_6-.Ltmp2, $4  }
0x90: {  	v17 =	vld.idx.msk [tilespmem:v20+s9+$0x0], $0xffff  }
0x91: {  	v15 =	vld.idx.msk [tilespmem:v21+s9+$0x0], $0xffff;
	[tilespmem:s0+$0x10] =	vst v23;
	v13 =	vmov v24  }
0x92: {  	v16 =	vld.idx.msk [tilespmem:v22+s9+$0x0], $0xffff  }
0x93: {  	s8 =	sadd.s32 $0x40, s8;
	[tilespmem:s10+$0xFFFFFFE0] =	vst v25;
	v18 =	vld.idx.msk [tilespmem:v11+s2+$0x0], $0xffff;
	v11 =	vmov v22  }
0x94: {  	_ =	sdelay $0x3  }
0x95: {  	[tilespmem:s1+$0xFFFFFFE0] =	vst v19;
	v19 =	vld.idx.msk [tilespmem:v13+s9+$0x0], $0xffff  }
0x96: {  	s28 =	sadd.s32 $0x40, s10;
	[tilespmem:s0+$0xFFFFFFF0] =	vst v14  }
0x97: {  	v9 =	vld.idx.msk [tilespmem:v9+s2+$0x0], $0xffff;
	[tilespmem:s28+$0x10] =	vst v17  }
0x98: {  	v12 =	vld.idx.msk [tilespmem:v12+s2+$0x0], $0xffff;
	[tilespmem:s28+$0xFFFFFFF0] =	vst v15  }
0x99: {  	[tilespmem:s28+$0x0] =	vst v16;
	v10 =	vld.idx.msk [tilespmem:v10+s2+$0x0], $0xffff  }
0x9a: {  	v11 =	vld.idx.msk [tilespmem:v11+s2+$0x0], $0xffff;
	[tilespmem:s28+$0xFFFFFFE0] =	vst v19  }
0x9b: {  	[tilespmem:s0+$0x0] =	vst v18;
	v13 =	vld.idx.msk [tilespmem:v13+s2+$0x0], $0xffff  }
0x9c: {  	[tilespmem:s0+$0xFFFFFFE0] =	vst v9  }
0x9d: {  	[tilespmem:s6+$0x10] =	vst v12  }
0x9e: {  	[tilespmem:s6+$0xFFFFFFF0] =	vst v10  }
0x9f: {  	[tilespmem:s6+$0x0] =	vst v11  }
0xa0: {  	[tilespmem:s6+$0xFFFFFFE0] =	vst v13  }
0xa1: {  	_ =	swait.ge [sflag:s11], $0x18700  }
0xa2: {  	[sflag:s11] =	ssyncset.done $0x0  }
0xa3: {  	s29 =	simm.s32 $0x1020;
	[sflag:s11] =	ssyncadd.s32 $0xFFFE7900  }
0xa4: {  	v9 =	vld [tilespmem:s29+$0x10]  }
0xa5: {  	v10 =	vld [tilespmem:s29+$0xFFFFFFF0]  }
0xa6: {  	v11 =	vld [tilespmem:s29+$0xFFFFFFE0]  }
0xa7: {  	s30 =	simm.s32 $0x2020;
	v12 =	vld [tilespmem:s29+$0x0]  }
0xa8: {  	s31 =	simm.s32 $0x1060;
	v15 =	vld [tilespmem:s30+$0x10]  }
0xa9: {  	v13 =	vld [tilespmem:s31+$0x10]  }
0xaa: {  	v18 =	vld [tilespmem:s31+$0xFFFFFFF0]  }
0xab: {  	v19 =	vld [tilespmem:s31+$0xFFFFFFE0]  }
0xac: {  	v20 =	vld [tilespmem:s30+$0xFFFFFFE0]  }
0xad: {  	v21 =	vld [tilespmem:s30+$0xFFFFFFF0]  }
0xae: {  	v14 =	vld [tilespmem:s30+$0x0]  }
0xaf: {  	v9 =	vld.idx.msk [tilespmem:v9+s5+$0x0], $0xffff  }
0xb0: {  	v17 =	vld.idx.msk [tilespmem:v10+s5+$0x0], $0xffff  }
0xb1: {  	v16 =	vld.idx.msk [tilespmem:v11+s5+$0x0], $0xffff  }
0xb2: {  	v10 =	vld [tilespmem:s31+$0x0]  }
0xb3: {  	v11 =	vld.idx.msk [tilespmem:v12+s5+$0x0], $0xffff  }
0xb4: {  	s1 =	simm.s32 $0x2060;
	v13 =	vld.idx.msk [tilespmem:v13+s5+$0x0], $0xffff  }
0xb5: {  	v9 =	vmul.f32 v15, v9;
	v15 =	vld [tilespmem:s1+$0x10]  }
0xb6: {  	s0 =	simm.s32 $0x3020;
	v12 =	vld.idx.msk [tilespmem:v18+s5+$0x0], $0xffff;
	v16 =	vmul.f32 v20, v16  }
0xb7: {  	s4 =	simm.s32 $0x4;
	s6 =	simm.s32 $0x10A0;
	v17 =	vmul.f32 v21, v17;
	[tilespmem:s0+$0x10] =	vst v9;
	v9 =	vld.idx.msk [tilespmem:v19+s5+$0x0], $0xffff  }
.LBB2_8:
0xb8: {  	v18 =	vld [tilespmem:s6+$0x10];
	s4 =	sadd.s32 $0x4, s4;
	[tilespmem:s0+$0xFFFFFFE0] =	vst v16;
	v11 =	vmul.f32 v14, v11  }
0xb9: {  	v16 =	vld [tilespmem:s6+$0xFFFFFFF0];
	p0 =	slt.u32 s4, $0xFC;
	[tilespmem:s0+$0xFFFFFFF0] =	vst v17  }
0xba: {  	v17 =	vld [tilespmem:s6+$0x0];
	v13 =	vmul.f32 v15, v13;
	[tilespmem:s0+$0x0] =	vst v11  }
0xbb: {  	s0 =	sadd.s32 $0x40, s0;
	v19 =	vld [tilespmem:s6+$0xFFFFFFE0]  }
0xbc: {  	v20 =	vmov v12;
	v11 =	vld.idx.msk [tilespmem:v10+s5+$0x0], $0xffff;
	[tilespmem:s0+$0x10] =	vst v13  }
0xbd: {  	v21 =	vld [tilespmem:s1+$0xFFFFFFE0]  }
0xbe: {  	v22 =	vld [tilespmem:s1+$0xFFFFFFF0]  }
.Ltmp3:
0xbf: {  	v14 =	vld [tilespmem:s1+$0x0];
	v10 =	vmov v17;
	(pc) =	sbr.rel @p0 .LBB2_8-.Ltmp3, $4  }
0xc0: {  	s1 =	sadd.s32 $0x40, s1;
	v13 =	vld.idx.msk [tilespmem:v18+s5+$0x0], $0xffff  }
0xc1: {  	v15 =	vld [tilespmem:s1+$0x10]  }
0xc2: {  	v12 =	vld.idx.msk [tilespmem:v16+s5+$0x0], $0xffff;
	v16 =	vmul.f32 v21, v9  }
0xc3: {  	s6 =	sadd.s32 $0x40, s6;
	v9 =	vld.idx.msk [tilespmem:v19+s5+$0x0], $0xffff;
	v17 =	vmul.f32 v22, v20  }
0xc4: {  	_ =	sdelay $0x3  }
0xc5: {  	v10 =	vld.idx.msk [tilespmem:v10+s5+$0x0], $0xffff  }
0xc6: {  	v18 =	vld [tilespmem:s1+$0xFFFFFFE0]  }
0xc7: {  	v19 =	vld [tilespmem:s1+$0xFFFFFFF0]  }
0xc8: {  	v20 =	vld [tilespmem:s1+$0x0]  }
0xc9: {  	[tilespmem:s0+$0xFFFFFFE0] =	vst v16;
	v11 =	vmul.f32 v14, v11  }
0xca: {  	[tilespmem:s0+$0xFFFFFFF0] =	vst v17;
	v13 =	vmul.f32 v15, v13  }
0xcb: {  	s28 =	sadd.s32 $0x40, s0;
	[tilespmem:s0+$0x0] =	vst v11;
	v9 =	vmul.f32 v18, v9  }
0xcc: {  	[tilespmem:s28+$0x10] =	vst v13;
	v11 =	vmul.f32 v19, v12  }
0xcd: {  	[tilespmem:s28+$0xFFFFFFE0] =	vst v9;
	v9 =	vmul.f32 v20, v10  }
0xce: {  	[tilespmem:s28+$0xFFFFFFF0] =	vst v11  }
0xcf: {  	[tilespmem:s28+$0x0] =	vst v9  }
0xd0: {  	s0 =	rddreg [dreg:$0xa]  }
0xd1: {  	[tilespmem:s5], [sflag:$0x1] =	stream.strided.gather [hbm4b:s0+s18], $0x18700, s19, s18, $0x38;
	[tilespmem:$0x1F800] =	vst v63  }
0xd2: {  	_ =	swait.ge [sflag:s11], $0x18700  }
0xd3: {  	[sflag:s11] =	ssyncset.done $0x0  }
0xd4: {  	s29 =	simm.s32 $0x1020;
	[sflag:s11] =	ssyncadd.s32 $0xFFFE7900  }
0xd5: {  	v9 =	vld [tilespmem:s29+$0x10]  }
0xd6: {  	v10 =	vld [tilespmem:s29+$0xFFFFFFF0]  }
0xd7: {  	v11 =	vld [tilespmem:s29+$0xFFFFFFE0]  }
0xd8: {  	s30 =	simm.s32 $0x2020;
	v12 =	vld [tilespmem:s29+$0x0]  }
0xd9: {  	s31 =	simm.s32 $0x1060;
	v15 =	vld [tilespmem:s30+$0x10]  }
0xda: {  	v13 =	vld [tilespmem:s31+$0x10]  }
0xdb: {  	v18 =	vld [tilespmem:s31+$0xFFFFFFF0]  }
0xdc: {  	v19 =	vld [tilespmem:s31+$0xFFFFFFE0]  }
0xdd: {  	v63 =	vld [tilespmem:s30+$0xFFFFFFE0]  }
0xde: {  	v21 =	vld [tilespmem:s30+$0xFFFFFFF0]  }
0xdf: {  	v14 =	vld [tilespmem:s30+$0x0]  }
0xe0: {  	v9 =	vld.idx.msk [tilespmem:v9+s5+$0x0], $0xffff  }
0xe1: {  	v17 =	vld.idx.msk [tilespmem:v10+s5+$0x0], $0xffff  }
0xe2: {  	v16 =	vld.idx.msk [tilespmem:v11+s5+$0x0], $0xffff  }
0xe3: {  	v10 =	vld [tilespmem:s31+$0x0]  }
0xe4: {  	v11 =	vld.idx.msk [tilespmem:v12+s5+$0x0], $0xffff  }
0xe5: {  	s1 =	simm.s32 $0x2060;
	v13 =	vld.idx.msk [tilespmem:v13+s5+$0x0], $0xffff  }
0xe6: {  	v9 =	vmul.f32 v15, v9;
	v15 =	vld [tilespmem:s1+$0x10]  }
0xe7: {  	s0 =	simm.s32 $0x4020;
	v12 =	vld.idx.msk [tilespmem:v18+s5+$0x0], $0xffff;
	v16 =	vmul.f32 v63, v16  }
0xe8: {  	s4 =	simm.s32 $0x4;
	s6 =	simm.s32 $0x10A0;
	v17 =	vmul.f32 v21, v17;
	[tilespmem:s0+$0x10] =	vst v9;
	v9 =	vld.idx.msk [tilespmem:v19+s5+$0x0], $0xffff  }
.LBB2_10:
0xe9: {  	v18 =	vld [tilespmem:s6+$0x10];
	s4 =	sadd.s32 $0x4, s4;
	[tilespmem:s0+$0xFFFFFFE0] =	vst v16;
	v11 =	vmul.f32 v14, v11  }
0xea: {  	v16 =	vld [tilespmem:s6+$0xFFFFFFF0];
	p0 =	slt.u32 s4, $0xFC;
	[tilespmem:s0+$0xFFFFFFF0] =	vst v17  }
0xeb: {  	v17 =	vld [tilespmem:s6+$0x0];
	v13 =	vmul.f32 v15, v13;
	[tilespmem:s0+$0x0] =	vst v11  }
0xec: {  	s0 =	sadd.s32 $0x40, s0;
	v19 =	vld [tilespmem:s6+$0xFFFFFFE0]  }
0xed: {  	v20 =	vmov v12;
	v11 =	vld.idx.msk [tilespmem:v10+s5+$0x0], $0xffff;
	[tilespmem:s0+$0x10] =	vst v13  }
0xee: {  	v21 =	vld [tilespmem:s1+$0xFFFFFFE0]  }
0xef: {  	v22 =	vld [tilespmem:s1+$0xFFFFFFF0]  }
.Ltmp4:
0xf0: {  	v14 =	vld [tilespmem:s1+$0x0];
	v10 =	vmov v17;
	(pc) =	sbr.rel @p0 .LBB2_10-.Ltmp4, $4  }
0xf1: {  	s1 =	sadd.s32 $0x40, s1;
	v13 =	vld.idx.msk [tilespmem:v18+s5+$0x0], $0xffff  }
0xf2: {  	v15 =	vld [tilespmem:s1+$0x10]  }
0xf3: {  	v12 =	vld.idx.msk [tilespmem:v16+s5+$0x0], $0xffff;
	v16 =	vmul.f32 v21, v9  }
0xf4: {  	s6 =	sadd.s32 $0x40, s6;
	v9 =	vld.idx.msk [tilespmem:v19+s5+$0x0], $0xffff;
	v17 =	vmul.f32 v22, v20  }
0xf5: {  	_ =	sdelay $0x3  }
0xf6: {  	v10 =	vld.idx.msk [tilespmem:v10+s5+$0x0], $0xffff  }
0xf7: {  	v18 =	vld [tilespmem:s1+$0xFFFFFFE0]  }
0xf8: {  	v19 =	vld [tilespmem:s1+$0xFFFFFFF0]  }
0xf9: {  	v20 =	vld [tilespmem:s1+$0x0]  }
0xfa: {  	[tilespmem:s0+$0xFFFFFFE0] =	vst v16;
	v11 =	vmul.f32 v14, v11  }
0xfb: {  	[tilespmem:s0+$0xFFFFFFF0] =	vst v17;
	v13 =	vmul.f32 v15, v13  }
0xfc: {  	s23 =	sadd.s32 $0x40, s0;
	[tilespmem:s0+$0x0] =	vst v11;
	v9 =	vmul.f32 v18, v9  }
0xfd: {  	[tilespmem:s23+$0x10] =	vst v13;
	v11 =	vmul.f32 v19, v12  }
0xfe: {  	[tilespmem:s23+$0xFFFFFFE0] =	vst v9;
	v9 =	vmul.f32 v20, v10  }
0xff: {  	[tilespmem:s23+$0xFFFFFFF0] =	vst v11  }
0x100: {  	[tilespmem:s23+$0x0] =	vst v9  }
0x101: {  	v9 =	vld [tilespmem:$0x5080];
	_ =	sdelay $0x4  }
0x102: {  	v10 =	vshll.u32 v9, $0x5  }
0x103: {  	v9 =	vand.u32 $0x7, v9;
	v10 =	vand.u32 $0xFFFFFF00, v10  }
0x104: {  	v9 =	vor.u32 v9, v10  }
0x105: {  	v10 =	vperm.xlane v9, v6;
	_ =	sdelay $0x1  }
0x106: {  	v10 =	vadd.s32 v7, v10;
	_ =	sdelay $0x3  }
0x107: {  	s20 =	simm.s32 $0x0;
	s0 =	rddreg [dreg:$0x0]  }
0x108: {  	[tilespmem:s5], [sflag:$0x2] =	stream.indirect_vreg.gather [hbm4b:s0+s20], $0x80, v10, vm1, $0xb8;
	[tilespmem:$0x1F800] =	vst v63  }
0x109: {  	s3 =	simm.s32 $0x5900;
	s1 =	rddreg [dreg:$0xb]  }
0x10a: {  	[tilespmem:s3], [sflag:$0x2] =	stream.indirect_vreg.gather [hbm4b:s1+s20], $0x80, v10, vm1, $0xb8;
	[tilespmem:$0x1F800] =	vst v63  }
0x10b: {  	s4 =	simm.s32 $0x6100;
	s3 =	rddreg [dreg:$0xc]  }
0x10c: {  	[tilespmem:s4], [sflag:$0x2] =	stream.indirect_vreg.gather [hbm4b:s3+s20], $0x80, v10, vm1, $0xb8;
	[tilespmem:$0x1F800] =	vst v63  }
0x10d: {  	s24 =	simm.s32 $0x6900;
	s4 =	rddreg [dreg:$0xd]  }
0x10e: {  	[tilespmem:s24], [sflag:$0x2] =	stream.indirect_vreg.gather [hbm4b:s4+s20], $0x80, v10, vm1, $0xb8;
	[tilespmem:$0x1F800] =	vst v63  }
0x10f: {  	s6 =	simm.s32 $0x7100;
	s5 =	rddreg [dreg:$0xe]  }
0x110: {  	[tilespmem:s6], [sflag:$0x2] =	stream.indirect_vreg.gather [hbm4b:s5+s20], $0x80, v10, vm1, $0xb8;
	[tilespmem:$0x1F800] =	vst v63  }
0x111: {  	s8 =	simm.s32 $0x7900;
	s6 =	rddreg [dreg:$0xf]  }
0x112: {  	[tilespmem:s8], [sflag:$0x2] =	stream.indirect_vreg.gather [hbm4b:s6+s20], $0x80, v10, vm1, $0xb8;
	[tilespmem:$0x1F800] =	vst v63  }
0x113: {  	s9 =	simm.s32 $0x8100;
	s8 =	rddreg [dreg:$0x10]  }
0x114: {  	[tilespmem:s9], [sflag:$0x2] =	stream.indirect_vreg.gather [hbm4b:s8+s20], $0x80, v10, vm1, $0xb8;
	[tilespmem:$0x1F800] =	vst v63  }
0x115: {  	s10 =	simm.s32 $0x8900;
	s9 =	rddreg [dreg:$0x11]  }
0x116: {  	[tilespmem:s10], [sflag:$0x2] =	stream.indirect_vreg.gather [hbm4b:s9+s20], $0x80, v10, vm1, $0xb8;
	[tilespmem:$0x1F800] =	vst v63  }
0x117: {  	s11 =	simm.s32 $0x9100;
	s10 =	rddreg [dreg:$0x12]  }
0x118: {  	[tilespmem:s11], [sflag:$0x2] =	stream.indirect_vreg.gather [hbm4b:s10+s20], $0x80, v10, vm1, $0xb8;
	[tilespmem:$0x1F800] =	vst v63  }
0x119: {  	s12 =	simm.s32 $0x9900;
	s11 =	rddreg [dreg:$0x13]  }
0x11a: {  	[tilespmem:s12], [sflag:$0x2] =	stream.indirect_vreg.gather [hbm4b:s11+s20], $0x80, v10, vm1, $0xb8;
	[tilespmem:$0x1F800] =	vst v63  }
0x11b: {  	s13 =	simm.s32 $0xA100;
	s12 =	rddreg [dreg:$0x14]  }
0x11c: {  	[tilespmem:s13], [sflag:$0x2] =	stream.indirect_vreg.gather [hbm4b:s12+s20], $0x80, v10, vm1, $0xb8;
	[tilespmem:$0x1F800] =	vst v63  }
0x11d: {  	s14 =	simm.s32 $0xA900;
	s13 =	rddreg [dreg:$0x17]  }
0x11e: {  	[tilespmem:s14], [sflag:$0x2] =	stream.indirect_vreg.gather [hbm4b:s13+s20], $0x80, v10, vm1, $0xb8;
	[tilespmem:$0x1F800] =	vst v63  }
0x11f: {  	s15 =	simm.s32 $0xB100;
	s14 =	rddreg [dreg:$0x19]  }
0x120: {  	[tilespmem:s15], [sflag:$0x2] =	stream.indirect_vreg.gather [hbm4b:s14+s20], $0x80, v10, vm1, $0xb8;
	[tilespmem:$0x1F800] =	vst v63  }
0x121: {  	s16 =	simm.s32 $0xB900;
	v9 =	vperm.xlane v9, v8;
	s15 =	rddreg [dreg:$0x1a]  }
0x122: {  	[tilespmem:s16], [sflag:$0x2] =	stream.indirect_vreg.gather [hbm4b:s15+s20], $0x80, v10, vm1, $0xb8;
	[tilespmem:$0x1F800] =	vst v63  }
0x123: {  	s17 =	simm.s32 $0xC100;
	v9 =	vadd.s32 v7, v9;
	s16 =	rddreg [dreg:$0x1b]  }
0x124: {  	[tilespmem:s17], [sflag:$0x2] =	stream.indirect_vreg.gather [hbm4b:s16+s20], $0x80, v10, vm1, $0xb8;
	[tilespmem:$0x1F800] =	vst v63  }
0x125: {  	s21 =	simm.s32 $0xC900;
	s17 =	rddreg [dreg:$0x1c]  }
0x126: {  	[tilespmem:s21], [sflag:$0x2] =	stream.indirect_vreg.gather [hbm4b:s17+s20], $0x80, v10, vm1, $0xb8;
	[tilespmem:$0x1F800] =	vst v63  }
0x127: {  	s25 =	simm.s32 $0xD100  }
0x128: {  	[tilespmem:s25], [sflag:$0x2] =	stream.indirect_vreg.gather [hbm4b:s0+s20], $0x80, v9, vm1, $0xb8;
	[tilespmem:$0x1F800] =	vst v63  }
0x129: {  	s26 =	simm.s32 $0xD900  }
0x12a: {  	[tilespmem:s26], [sflag:$0x2] =	stream.indirect_vreg.gather [hbm4b:s1+s20], $0x80, v9, vm1, $0xb8;
	[tilespmem:$0x1F800] =	vst v63  }
0x12b: {  	s28 =	simm.s32 $0xE100  }
0x12c: {  	[tilespmem:s28], [sflag:$0x2] =	stream.indirect_vreg.gather [hbm4b:s3+s20], $0x80, v9, vm1, $0xb8;
	[tilespmem:$0x1F800] =	vst v63  }
0x12d: {  	s29 =	simm.s32 $0xE900  }
0x12e: {  	[tilespmem:s29], [sflag:$0x2] =	stream.indirect_vreg.gather [hbm4b:s4+s20], $0x80, v9, vm1, $0xb8;
	[tilespmem:$0x1F800] =	vst v63  }
0x12f: {  	s31 =	simm.s32 $0xF100  }
0x130: {  	[tilespmem:s31], [sflag:$0x2] =	stream.indirect_vreg.gather [hbm4b:s5+s20], $0x80, v9, vm1, $0xb8;
	[tilespmem:$0x1F800] =	vst v63  }
0x131: {  	s22 =	simm.s32 $0xF900  }
0x132: {  	[tilespmem:s22], [sflag:$0x2] =	stream.indirect_vreg.gather [hbm4b:s6+s20], $0x80, v9, vm1, $0xb8;
	[tilespmem:$0x1F800] =	vst v63  }
0x133: {  	s23 =	simm.s32 $0x10100  }
0x134: {  	[tilespmem:s23], [sflag:$0x2] =	stream.indirect_vreg.gather [hbm4b:s8+s20], $0x80, v9, vm1, $0xb8;
	[tilespmem:$0x1F800] =	vst v63  }
0x135: {  	s24 =	simm.s32 $0x10900  }
0x136: {  	[tilespmem:s24], [sflag:$0x2] =	stream.indirect_vreg.gather [hbm4b:s9+s20], $0x80, v9, vm1, $0xb8;
	[tilespmem:$0x1F800] =	vst v63  }
0x137: {  	s25 =	simm.s32 $0x11100  }
0x138: {  	[tilespmem:s25], [sflag:$0x2] =	stream.indirect_vreg.gather [hbm4b:s10+s20], $0x80, v9, vm1, $0xb8;
	[tilespmem:$0x1F800] =	vst v63  }
0x139: {  	s26 =	simm.s32 $0x11900  }
0x13a: {  	[tilespmem:s26], [sflag:$0x2] =	stream.indirect_vreg.gather [hbm4b:s11+s20], $0x80, v9, vm1, $0xb8;
	[tilespmem:$0x1F800] =	vst v63  }
0x13b: {  	s28 =	simm.s32 $0x12100  }
0x13c: {  	[tilespmem:s28], [sflag:$0x2] =	stream.indirect_vreg.gather [hbm4b:s12+s20], $0x80, v9, vm1, $0xb8;
	[tilespmem:$0x1F800] =	vst v63  }
0x13d: {  	s29 =	simm.s32 $0x12900  }
0x13e: {  	[tilespmem:s29], [sflag:$0x2] =	stream.indirect_vreg.gather [hbm4b:s13+s20], $0x80, v9, vm1, $0xb8;
	[tilespmem:$0x1F800] =	vst v63  }
0x13f: {  	s31 =	simm.s32 $0x13100  }
0x140: {  	[tilespmem:s31], [sflag:$0x2] =	stream.indirect_vreg.gather [hbm4b:s14+s20], $0x80, v9, vm1, $0xb8;
	[tilespmem:$0x1F800] =	vst v63  }
0x141: {  	s22 =	simm.s32 $0x13900  }
0x142: {  	[tilespmem:s22], [sflag:$0x2] =	stream.indirect_vreg.gather [hbm4b:s15+s20], $0x80, v9, vm1, $0xb8;
	[tilespmem:$0x1F800] =	vst v63  }
0x143: {  	s23 =	simm.s32 $0x14100  }
0x144: {  	[tilespmem:s23], [sflag:$0x2] =	stream.indirect_vreg.gather [hbm4b:s16+s20], $0x80, v9, vm1, $0xb8;
	[tilespmem:$0x1F800] =	vst v63  }
0x145: {  	s24 =	simm.s32 $0x14900  }
0x146: {  	[tilespmem:s24], [sflag:$0x2] =	stream.indirect_vreg.gather [hbm4b:s17+s20], $0x80, v9, vm1, $0xb8;
	[tilespmem:$0x1F800] =	vst v63  }
0x147: {  	v9 =	vld.msk [tilespmem:$0x5090], $0xff;
	_ =	sdelay $0x4  }
0x148: {  	v10 =	vshll.u32 v9, $0x5  }
0x149: {  	v9 =	vand.u32 $0x7, v9;
	v10 =	vand.u32 $0xFFFFFF00, v10  }
0x14a: {  	v9 =	vor.u32 v9, v10  }
0x14b: {  	v9 =	vperm.xlane v9, v6;
	_ =	sdelay $0x1  }
0x14c: {  	v9 =	vadd.s32 v7, v9;
	_ =	sdelay $0x3  }
0x14d: {  	s25 =	simm.s32 $0x15100  }
0x14e: {  	[tilespmem:s25], [sflag:$0x2] =	stream.indirect_vreg.gather [hbm4b:s0+s20], $0x80, v9, vm1, $0xb8;
	[tilespmem:$0x1F800] =	vst v63  }
0x14f: {  	s26 =	simm.s32 $0x15900  }
0x150: {  	[tilespmem:s26], [sflag:$0x2] =	stream.indirect_vreg.gather [hbm4b:s1+s20], $0x80, v9, vm1, $0xb8;
	[tilespmem:$0x1F800] =	vst v63  }
0x151: {  	s28 =	simm.s32 $0x16100  }
0x152: {  	[tilespmem:s28], [sflag:$0x2] =	stream.indirect_vreg.gather [hbm4b:s3+s20], $0x80, v9, vm1, $0xb8;
	[tilespmem:$0x1F800] =	vst v63  }
0x153: {  	s29 =	simm.s32 $0x16900  }
0x154: {  	[tilespmem:s29], [sflag:$0x2] =	stream.indirect_vreg.gather [hbm4b:s4+s20], $0x80, v9, vm1, $0xb8;
	[tilespmem:$0x1F800] =	vst v63  }
0x155: {  	s31 =	simm.s32 $0x17100  }
0x156: {  	[tilespmem:s31], [sflag:$0x2] =	stream.indirect_vreg.gather [hbm4b:s5+s20], $0x80, v9, vm1, $0xb8;
	[tilespmem:$0x1F800] =	vst v63  }
0x157: {  	s1 =	simm.s32 $0x17900  }
0x158: {  	[tilespmem:s1], [sflag:$0x2] =	stream.indirect_vreg.gather [hbm4b:s6+s20], $0x80, v9, vm1, $0xb8;
	[tilespmem:$0x1F800] =	vst v63  }
0x159: {  	s3 =	simm.s32 $0x18100  }
0x15a: {  	[tilespmem:s3], [sflag:$0x2] =	stream.indirect_vreg.gather [hbm4b:s8+s20], $0x80, v9, vm1, $0xb8;
	[tilespmem:$0x1F800] =	vst v63  }
0x15b: {  	s4 =	simm.s32 $0x18900  }
0x15c: {  	[tilespmem:s4], [sflag:$0x2] =	stream.indirect_vreg.gather [hbm4b:s9+s20], $0x80, v9, vm1, $0xb8;
	[tilespmem:$0x1F800] =	vst v63  }
0x15d: {  	s5 =	simm.s32 $0x19100  }
0x15e: {  	[tilespmem:s5], [sflag:$0x2] =	stream.indirect_vreg.gather [hbm4b:s10+s20], $0x80, v9, vm1, $0xb8;
	[tilespmem:$0x1F800] =	vst v63  }
0x15f: {  	s6 =	simm.s32 $0x19900  }
0x160: {  	[tilespmem:s6], [sflag:$0x2] =	stream.indirect_vreg.gather [hbm4b:s11+s20], $0x80, v9, vm1, $0xb8;
	[tilespmem:$0x1F800] =	vst v63  }
0x161: {  	s8 =	simm.s32 $0x1A100  }
0x162: {  	[tilespmem:s8], [sflag:$0x2] =	stream.indirect_vreg.gather [hbm4b:s12+s20], $0x80, v9, vm1, $0xb8;
	[tilespmem:$0x1F800] =	vst v63  }
0x163: {  	s9 =	simm.s32 $0x1A900  }
0x164: {  	[tilespmem:s9], [sflag:$0x2] =	stream.indirect_vreg.gather [hbm4b:s13+s20], $0x80, v9, vm1, $0xb8;
	[tilespmem:$0x1F800] =	vst v63  }
0x165: {  	s10 =	simm.s32 $0x1B100  }
0x166: {  	[tilespmem:s10], [sflag:$0x2] =	stream.indirect_vreg.gather [hbm4b:s14+s20], $0x80, v9, vm1, $0xb8;
	[tilespmem:$0x1F800] =	vst v63  }
0x167: {  	s11 =	simm.s32 $0x1B900  }
0x168: {  	[tilespmem:s11], [sflag:$0x2] =	stream.indirect_vreg.gather [hbm4b:s15+s20], $0x80, v9, vm1, $0xb8;
	[tilespmem:$0x1F800] =	vst v63  }
0x169: {  	s12 =	simm.s32 $0x1C100  }
0x16a: {  	[tilespmem:s12], [sflag:$0x2] =	stream.indirect_vreg.gather [hbm4b:s16+s20], $0x80, v9, vm1, $0xb8;
	[tilespmem:$0x1F800] =	vst v63  }
0x16b: {  	s13 =	simm.s32 $0x1C900;
	s14 =	simm.s32 $0x2  }
0x16c: {  	[tilespmem:s13], [sflag:$0x2] =	stream.indirect_vreg.gather [hbm4b:s17+s20], $0x80, v9, vm1, $0xb8;
	[tilespmem:$0x1F800] =	vst v63  }
0x16d: {  	s15 =	sand.u32 $0x40, s20;
	s16 =	sand.u32 $0x7C00, s20;
	_ =	swait.ge [sflag:s14], $0x18000  }
0x16e: {  	s0 =	sor.u32 $0x30, s15;
	s17 =	sadd.s32 $0x5100, s16;
	[sflag:s14] =	ssyncset.done $0x0  }
0x16f: {  	s22 =	sor.u32 s0, s17;
	[sflag:s14] =	ssyncadd.s32 $0xFFFE8000  }
0x170: {  	v9 =	vld [tilespmem:s22+$0x0]  }
0x171: {  	s23 =	sor.u32 s15, s17;
	v10 =	vld [tilespmem:s22+$0x80]  }
0x172: {  	v11 =	vld [tilespmem:s23+$0x0]  }
0x173: {  	v12 =	vld [tilespmem:s22+$0x100]  }
0x174: {  	s6 =	sor.u32 $0x10, s15;
	v13 =	vld [tilespmem:s23+$0x80]  }
0x175: {  	s24 =	sor.u32 s6, s17;
	v14 =	vld [tilespmem:s22+$0x180]  }
0x176: {  	v15 =	vld [tilespmem:s24+$0x0]  }
0x177: {  	v16 =	vld [tilespmem:s22+$0x200]  }
0x178: {  	s21 =	sor.u32 $0x20, s15;
	v17 =	vld [tilespmem:s24+$0x80]  }
0x179: {  	s8 =	sor.u32 s21, s17;
	v18 =	vld [tilespmem:s22+$0x280]  }
0x17a: {  	v19 =	vld [tilespmem:s8+$0x0]  }
0x17b: {  	v48 =	vld [tilespmem:s22+$0x300]  }
0x17c: {  	v21 =	vld [tilespmem:s8+$0x80]  }
0x17d: {  	s4 =	sadd.s32 $0xD100, s16;
	v22 =	vld [tilespmem:s22+$0x380]  }
0x17e: {  	s25 =	sor.u32 s0, s4;
	v23 =	vld [tilespmem:s23+$0x100]  }
0x17f: {  	v24 =	vld [tilespmem:s25+$0x0]  }
0x180: {  	v25 =	vld [tilespmem:s24+$0x100]  }
0x181: {  	v26 =	vld [tilespmem:s8+$0x100]  }
0x182: {  	v27 =	vld [tilespmem:s23+$0x180]  }
0x183: {  	v28 =	vld [tilespmem:s24+$0x180]  }
0x184: {  	v29 =	vld [tilespmem:s8+$0x180]  }
0x185: {  	v30 =	vld [tilespmem:s23+$0x200]  }
0x186: {  	v31 =	vld [tilespmem:s24+$0x200]  }
0x187: {  	v32 =	vld [tilespmem:s8+$0x200]  }
0x188: {  	v33 =	vld [tilespmem:s23+$0x280]  }
0x189: {  	v34 =	vld [tilespmem:s24+$0x280]  }
0x18a: {  	v35 =	vld [tilespmem:s8+$0x280]  }
0x18b: {  	v36 =	vld [tilespmem:s23+$0x300]  }
0x18c: {  	v37 =	vld [tilespmem:s24+$0x300]  }
0x18d: {  	v38 =	vld [tilespmem:s8+$0x300]  }
0x18e: {  	v39 =	vld [tilespmem:s23+$0x380]  }
0x18f: {  	s28 =	simm.s32 $0x200;
	s29 =	simm.s32 $0x40;
	v40 =	vld [tilespmem:s24+$0x380]  }
0x190: {  	s5 =	sand.u32 $0x40, s29;
	s26 =	sor.u32 s15, s4;
	v41 =	vld [tilespmem:s8+$0x380];
	s8 =	sand.u32 $0x7C00, s28  }
0x191: {  	s3 =	sor.u32 s6, s4;
	v42 =	vld [tilespmem:s26+$0x0];
	s23 =	sor.u32 $0x30, s5;
	s12 =	sadd.s32 $0x5100, s8  }
0x192: {  	v43 =	vld [tilespmem:s3+$0x0];
	s14 =	sor.u32 s23, s12  }
0x193: {  	s15 =	sor.u32 s5, s12;
	v44 =	vld [tilespmem:s14+$0x0]  }
0x194: {  	v45 =	vld [tilespmem:s15+$0x0];
	v9 =	vadd.f32 v10, v9  }
0x195: {  	s16 =	sadd.s32 $0xD100, s8;
	v46 =	vld [tilespmem:s15+$0x80]  }
0x196: {  	s17 =	sor.u32 $0x10, s5;
	s22 =	sor.u32 s23, s16;
	v49 =	vld [tilespmem:s14+$0x380];
	v9 =	vadd.f32 v12, v9  }
0x197: {  	s24 =	sor.u32 $0x20, s5;
	s31 =	sor.u32 s17, s12;
	v50 =	vld [tilespmem:s22+$0x0]  }
0x198: {  	s25 =	sor.u32 s24, s12;
	v51 =	vld [tilespmem:s31+$0x0];
	v9 =	vadd.f32 v14, v9  }
0x199: {  	v53 =	vld [tilespmem:s25+$0x0];
	v11 =	vadd.f32 v13, v11;
	v15 =	vadd.f32 v17, v15  }
0x19a: {  	v54 =	vld [tilespmem:s25+$0x80];
	v9 =	vadd.f32 v16, v9  }
0x19b: {  	v52 =	vld [tilespmem:s31+$0x80];
	v11 =	vadd.f32 v23, v11;
	v15 =	vadd.f32 v25, v15  }
0x19c: {  	v12 =	vld [tilespmem:s14+$0x80];
	v9 =	vadd.f32 v18, v9;
	v18 =	vadd.f32 v21, v19  }
0x19d: {  	v55 =	vld [tilespmem:s15+$0x100];
	v11 =	vadd.f32 v27, v11  }
0x19e: {  	v14 =	vld [tilespmem:s14+$0x100];
	v15 =	vadd.f32 v28, v15;
	v18 =	vadd.f32 v26, v18  }
0x19f: {  	v56 =	vld [tilespmem:s31+$0x100];
	v60 =	vadd.f32 v54, v53;
	v11 =	vadd.f32 v30, v11  }
0x1a0: {  	v16 =	vld [tilespmem:s14+$0x180];
	v15 =	vadd.f32 v31, v15;
	v18 =	vadd.f32 v29, v18  }
0x1a1: {  	v57 =	vld [tilespmem:s15+$0x180];
	v12 =	vadd.f32 v12, v44;
	v11 =	vadd.f32 v33, v11  }
0x1a2: {  	v58 =	vld [tilespmem:s25+$0x180];
	v15 =	vadd.f32 v34, v15;
	v18 =	vadd.f32 v32, v18  }
0x1a3: {  	v59 =	vld [tilespmem:s31+$0x200];
	v12 =	vadd.f32 v14, v12;
	v9 =	vadd.f32 v48, v9  }
0x1a4: {  	s4 =	sor.u32 s21, s4;
	v13 =	vld [tilespmem:s14+$0x200];
	v11 =	vadd.f32 v36, v11;
	v18 =	vadd.f32 v35, v18  }
0x1a5: {  	v10 =	vld [tilespmem:s4+$0x0];
	v15 =	vadd.f32 v37, v15;
	v12 =	vadd.f32 v16, v12  }
0x1a6: {  	v17 =	vld [tilespmem:s14+$0x280];
	v9 =	vadd.f32 v22, v9;
	v18 =	vadd.f32 v38, v18  }
0x1a7: {  	v61 =	vld [tilespmem:s15+$0x280];
	v11 =	vadd.f32 v39, v11;
	v15 =	vadd.f32 v40, v15  }
0x1a8: {  	v19 =	vld [tilespmem:s14+$0x300];
	v22 =	vadd.f32 v52, v51;
	v18 =	vadd.f32 v41, v18  }
0x1a9: {  	v14 =	vld [tilespmem:s25+$0x100];
	v12 =	vadd.f32 v13, v12;
	v9 =	vadd.f32 v24, v9  }
0x1aa: {  	v16 =	vld [tilespmem:s31+$0x180];
	v18 =	vadd.f32 v10, v18;
	v10 =	vadd.f32 v46, v45  }
0x1ab: {  	v13 =	vld [tilespmem:s15+$0x200];
	v11 =	vadd.f32 v42, v11;
	v12 =	vadd.f32 v17, v12  }
0x1ac: {  	v62 =	vld [tilespmem:s31+$0x280];
	v15 =	vadd.f32 v43, v15;
	v10 =	vadd.f32 v55, v10  }
0x1ad: {  	s26 =	sand.u32 $0xF80, s20;
	v17 =	vld [tilespmem:s25+$0x200];
	v12 =	vadd.f32 v19, v12;
	v19 =	vadd.f32 v56, v22  }
0x1ae: {  	v63 =	vld [tilespmem:s25+$0x280];
	s4 =	sadd.s32 $0x1D100, s26;
	v14 =	vadd.f32 v14, v60;
	v10 =	vadd.f32 v57, v10  }
0x1af: {  	s0 =	sor.u32 s0, s4;
	v12 =	vadd.f32 v49, v12;
	v16 =	vadd.f32 v16, v19;
	v19 =	vld [tilespmem:s15+$0x300]  }
0x1b0: {  	s28 =	sand.u32 $0xF80, s29;
	s6 =	sor.u32 s6, s4;
	[tilespmem:s0+$0x0] =	vst v9;
	v14 =	vadd.f32 v58, v14;
	v13 =	vadd.f32 v13, v10;
	v10 =	vld [tilespmem:s31+$0x300]  }
0x1b1: {  	s20 =	simm.s32 $0x1D100;
	s13 =	sor.u32 s5, s16;
	[tilespmem:s6+$0x0] =	vst v15;
	s0 =	sadd.s32 $0x1D100, s28;
	v15 =	vadd.f32 v50, v12;
	v16 =	vadd.f32 v59, v16;
	v12 =	vld [tilespmem:s25+$0x300]  }
0x1b2: {  	s12 =	sor.u32 s24, s16;
	s4 =	sor.u32 s21, s4;
	v9 =	vld [tilespmem:s15+$0x380];
	[tilespmem:s20+$0x0] =	vst v11;
	s29 =	sor.u32 s23, s0;
	v14 =	vadd.f32 v17, v14;
	v13 =	vadd.f32 v61, v13  }
0x1b3: {  	s21 =	simm.s32 $0x400;
	s14 =	sor.u32 s17, s16;
	v11 =	vld [tilespmem:s31+$0x380];
	s30 =	sor.u32 s17, s0;
	v16 =	vadd.f32 v62, v16;
	[tilespmem:s29+$0x0] =	vst v15  }
0x1b4: {  	s1 =	sor.u32 s24, s0;
	s0 =	simm.s32 $0x4;
	s23 =	simm.s32 $0x80;
	v15 =	vadd.f32 v63, v14;
	[tilespmem:s4+$0x0] =	vst v18;
	v14 =	vadd.f32 v19, v13;
	v13 =	vld [tilespmem:s25+$0x380]  }
.LBB2_12:
0x1b5: {  	s4 =	sand.u32 $0x40, s23;
	s8 =	sand.u32 $0x7C00, s21;
	v17 =	vld [tilespmem:s13+$0x0];
	v10 =	vadd.f32 v10, v16  }
0x1b6: {  	s0 =	sadd.s32 $0x4, s0;
	s9 =	sadd.s32 $0x5100, s8;
	s6 =	sor.u32 $0x30, s4;
	v16 =	vld [tilespmem:s14+$0x0];
	v12 =	vadd.f32 v12, v15  }
0x1b7: {  	s15 =	sor.u32 $0x10, s4;
	p0 =	slt.u32 s0, $0xFC;
	s13 =	sor.u32 s6, s9;
	v9 =	vadd.f32 v9, v14;
	v14 =	vld [tilespmem:s12+$0x0]  }
0x1b8: {  	s16 =	sor.u32 $0x20, s4;
	s11 =	sor.u32 s4, s9;
	s10 =	sor.u32 s15, s9;
	v15 =	vld [tilespmem:s13+$0x0];
	v10 =	vadd.f32 v11, v10  }
0x1b9: {  	s31 =	sor.u32 s16, s9;
	v11 =	vld [tilespmem:s13+$0x80];
	v12 =	vadd.f32 v13, v12  }
0x1ba: {  	v13 =	vld [tilespmem:s11+$0x0];
	v9 =	vadd.f32 v17, v9  }
0x1bb: {  	s20 =	sadd.s32 $0x40, s20;
	v17 =	vld [tilespmem:s13+$0x100];
	v10 =	vadd.f32 v16, v10  }
0x1bc: {  	v16 =	vld [tilespmem:s11+$0x80];
	[tilespmem:s20+$0x0] =	vst v9;
	v9 =	vadd.f32 v14, v12  }
0x1bd: {  	v12 =	vld [tilespmem:s13+$0x180];
	[tilespmem:s30+$0x0] =	vst v10  }
0x1be: {  	v10 =	vld [tilespmem:s10+$0x0];
	v11 =	vadd.f32 v11, v15;
	[tilespmem:s1+$0x0] =	vst v9  }
0x1bf: {  	v9 =	vld [tilespmem:s13+$0x200]  }
0x1c0: {  	v14 =	vld [tilespmem:s10+$0x80];
	v11 =	vadd.f32 v17, v11  }
0x1c1: {  	v13 =	vadd.f32 v16, v13;
	v15 =	vld [tilespmem:s13+$0x280]  }
0x1c2: {  	v16 =	vld [tilespmem:s31+$0x0];
	v11 =	vadd.f32 v12, v11  }
0x1c3: {  	v12 =	vld [tilespmem:s13+$0x300]  }
0x1c4: {  	v17 =	vld [tilespmem:s31+$0x80];
	v9 =	vadd.f32 v9, v11  }
0x1c5: {  	s1 =	sadd.s32 $0xD100, s8;
	v10 =	vadd.f32 v14, v10;
	v11 =	vld [tilespmem:s13+$0x380]  }
0x1c6: {  	s14 =	sor.u32 s15, s1;
	s13 =	sor.u32 s4, s1;
	s4 =	sor.u32 s6, s1;
	v14 =	vld [tilespmem:s11+$0x100];
	v9 =	vadd.f32 v15, v9  }
0x1c7: {  	s12 =	sor.u32 s16, s1;
	v15 =	vld [tilespmem:s4+$0x0]  }
0x1c8: {  	v18 =	vld [tilespmem:s10+$0x100];
	v9 =	vadd.f32 v12, v9  }
0x1c9: {  	v12 =	vadd.f32 v17, v16;
	v16 =	vld [tilespmem:s31+$0x100]  }
0x1ca: {  	v17 =	vld [tilespmem:s11+$0x180];
	v9 =	vadd.f32 v11, v9  }
0x1cb: {  	s1 =	sand.u32 $0xF80, s23;
	v11 =	vadd.f32 v14, v13;
	v13 =	vld [tilespmem:s10+$0x180]  }
0x1cc: {  	s4 =	sadd.s32 $0x1D100, s1;
	v14 =	vld [tilespmem:s31+$0x180];
	v9 =	vadd.f32 v15, v9  }
0x1cd: {  	s30 =	sor.u32 s15, s4;
	s1 =	sor.u32 s16, s4;
	s4 =	sor.u32 s6, s4;
	v15 =	vld [tilespmem:s11+$0x200];
	v10 =	vadd.f32 v18, v10  }
0x1ce: {  	s6 =	simm.s32 $0x3020;
	v18 =	vld [tilespmem:s10+$0x200];
	v12 =	vadd.f32 v16, v12;
	[tilespmem:s4+$0x0] =	vst v9;
	s4 =	simm.s32 $0x20  }
0x1cf: {  	v9 =	vadd.f32 v17, v11;
	v11 =	vld [tilespmem:s31+$0x200]  }
0x1d0: {  	v16 =	vld [tilespmem:s11+$0x280];
	v10 =	vadd.f32 v13, v10  }
0x1d1: {  	v13 =	vld [tilespmem:s10+$0x280];
	v12 =	vadd.f32 v14, v12  }
0x1d2: {  	v9 =	vadd.f32 v15, v9;
	v14 =	vld [tilespmem:s31+$0x280]  }
0x1d3: {  	v17 =	vld [tilespmem:s11+$0x300];
	v15 =	vadd.f32 v18, v10  }
.Ltmp5:
0x1d4: {  	v10 =	vld [tilespmem:s10+$0x300];
	v18 =	vadd.f32 v11, v12;
	(pc) =	sbr.rel @p0 .LBB2_12-.Ltmp5, $4  }
0x1d5: {  	v19 =	vadd.f32 v16, v9;
	v12 =	vld [tilespmem:s31+$0x300]  }
0x1d6: {  	v9 =	vld [tilespmem:s11+$0x380];
	v16 =	vadd.f32 v13, v15  }
0x1d7: {  	v11 =	vld [tilespmem:s10+$0x380];
	v15 =	vadd.f32 v14, v18  }
0x1d8: {  	s21 =	sadd.s32 $0x200, s21;
	s23 =	sadd.s32 $0x40, s23;
	v14 =	vadd.f32 v17, v19;
	v13 =	vld [tilespmem:s31+$0x380]  }
0x1d9: {  	v17 =	vld [tilespmem:s13+$0x0]  }
0x1da: {  	v18 =	vld [tilespmem:s14+$0x0]  }
0x1db: {  	v10 =	vadd.f32 v10, v16;
	v16 =	vld [tilespmem:s12+$0x0]  }
0x1dc: {  	v12 =	vadd.f32 v12, v15;
	v9 =	vadd.f32 v9, v14  }
0x1dd: {  	v10 =	vadd.f32 v11, v10  }
0x1de: {  	v11 =	vadd.f32 v13, v12;
	v9 =	vadd.f32 v17, v9  }
0x1df: {  	s0 =	sadd.s32 $0x40, s20;
	v10 =	vadd.f32 v18, v10  }
0x1e0: {  	[tilespmem:s0+$0x0] =	vst v9;
	v9 =	vadd.f32 v16, v11  }
0x1e1: {  	[tilespmem:s30+$0x0] =	vst v10  }
0x1e2: {  	[tilespmem:s1+$0x0] =	vst v9  }
0x1e3: {  	v9 =	vld [tilespmem:s4+$0x10]  }
0x1e4: {  	v10 =	vld [tilespmem:s4+$0xFFFFFFF0]  }
0x1e5: {  	v11 =	vld [tilespmem:s4+$0xFFFFFFE0]  }
0x1e6: {  	v12 =	vld [tilespmem:s4+$0x0]  }
0x1e7: {  	s31 =	simm.s32 $0x60;
	v13 =	vld [tilespmem:s6+$0x10]  }
0x1e8: {  	v15 =	vld [tilespmem:s31+$0x10]  }
0x1e9: {  	v18 =	vld [tilespmem:s31+$0xFFFFFFF0]  }
0x1ea: {  	v19 =	vld [tilespmem:s31+$0xFFFFFFE0]  }
0x1eb: {  	v20 =	vld [tilespmem:s6+$0xFFFFFFE0]  }
0x1ec: {  	v21 =	vld [tilespmem:s6+$0xFFFFFFF0]  }
0x1ed: {  	v9 =	vld.idx.msk [tilespmem:v9+s7+$0x0], $0xffff  }
0x1ee: {  	v14 =	vld [tilespmem:s6+$0x0]  }
0x1ef: {  	v17 =	vld.idx.msk [tilespmem:v10+s7+$0x0], $0xffff  }
0x1f0: {  	v16 =	vld.idx.msk [tilespmem:v11+s7+$0x0], $0xffff  }
0x1f1: {  	v11 =	vld [tilespmem:s31+$0x0]  }
0x1f2: {  	v10 =	vld.idx.msk [tilespmem:v12+s7+$0x0], $0xffff;
	v9 =	vadd.f32 v13, v9  }
0x1f3: {  	s0 =	simm.s32 $0x3060;
	v13 =	vld.idx.msk [tilespmem:v15+s7+$0x0], $0xffff  }
0x1f4: {  	v15 =	vld [tilespmem:s0+$0x10];
	v9 =	vmul.f32 $1.000000010e-01, v9  }
0x1f5: {  	v12 =	vld.idx.msk [tilespmem:v18+s7+$0x0], $0xffff;
	v16 =	vadd.f32 v20, v16  }
0x1f6: {  	s1 =	simm.s32 $0x4;
	s4 =	simm.s32 $0xA0;
	v17 =	vadd.f32 v21, v17;
	[tilespmem:s6+$0x10] =	vst v9;
	v9 =	vld.idx.msk [tilespmem:v19+s7+$0x0], $0xffff  }
.LBB2_14:
0x1f7: {  	v18 =	vld [tilespmem:s4+$0x10];
	s1 =	sadd.s32 $0x4, s1;
	v16 =	vmul.f32 $1.000000010e-01, v16;
	v10 =	vadd.f32 v14, v10  }
0x1f8: {  	v19 =	vld [tilespmem:s4+$0xFFFFFFF0];
	p0 =	slt.u32 s1, $0xFC;
	v14 =	vmul.f32 $1.000000010e-01, v17  }
0x1f9: {  	v17 =	vld [tilespmem:s4+$0x0];
	v13 =	vadd.f32 v15, v13;
	[tilespmem:s6+$0xFFFFFFE0] =	vst v16;
	v15 =	vmul.f32 $1.000000010e-01, v10  }
0x1fa: {  	v20 =	vld [tilespmem:s4+$0xFFFFFFE0];
	[tilespmem:s6+$0xFFFFFFF0] =	vst v14  }
0x1fb: {  	v21 =	vmov v12;
	v10 =	vld.idx.msk [tilespmem:v11+s7+$0x0], $0xffff;
	v13 =	vmul.f32 $1.000000010e-01, v13;
	[tilespmem:s6+$0x0] =	vst v15;
	s6 =	smov.u32 s0  }
0x1fc: {  	v16 =	vld [tilespmem:s0+$0xFFFFFFE0]  }
0x1fd: {  	v22 =	vld [tilespmem:s0+$0xFFFFFFF0];
	[tilespmem:s0+$0x10] =	vst v13  }
.Ltmp6:
0x1fe: {  	v14 =	vld [tilespmem:s0+$0x0];
	v11 =	vmov v17;
	(pc) =	sbr.rel @p0 .LBB2_14-.Ltmp6, $4  }
0x1ff: {  	s0 =	sadd.s32 $0x40, s0;
	v13 =	vld.idx.msk [tilespmem:v18+s7+$0x0], $0xffff  }
0x200: {  	v15 =	vld [tilespmem:s0+$0x10]  }
0x201: {  	v12 =	vld.idx.msk [tilespmem:v19+s7+$0x0], $0xffff;
	v16 =	vadd.f32 v16, v9  }
0x202: {  	s4 =	sadd.s32 $0x40, s4;
	v9 =	vld.idx.msk [tilespmem:v20+s7+$0x0], $0xffff;
	v17 =	vadd.f32 v22, v21  }
0x203: {  	_ =	sdelay $0x3  }
0x204: {  	v11 =	vld.idx.msk [tilespmem:v11+s7+$0x0], $0xffff  }
0x205: {  	v18 =	vld [tilespmem:s0+$0xFFFFFFE0]  }
0x206: {  	v19 =	vld [tilespmem:s0+$0xFFFFFFF0]  }
0x207: {  	v20 =	vld [tilespmem:s0+$0x0]  }
0x208: {  	v16 =	vmul.f32 $1.000000010e-01, v16;
	v10 =	vadd.f32 v14, v10  }
0x209: {  	v14 =	vmul.f32 $1.000000010e-01, v17;
	v13 =	vadd.f32 v15, v13  }
0x20a: {  	[tilespmem:s6+$0xFFFFFFE0] =	vst v16;
	v10 =	vmul.f32 $1.000000010e-01, v10;
	v9 =	vadd.f32 v18, v9  }
0x20b: {  	[tilespmem:s6+$0xFFFFFFF0] =	vst v14;
	v13 =	vmul.f32 $1.000000010e-01, v13;
	v12 =	vadd.f32 v19, v12  }
0x20c: {  	[tilespmem:s6+$0x0] =	vst v10;
	v10 =	vadd.f32 v20, v11;
	v9 =	vmul.f32 $1.000000010e-01, v9  }
0x20d: {  	[tilespmem:s0+$0x10] =	vst v13;
	v11 =	vmul.f32 $1.000000010e-01, v12  }
0x20e: {  	[tilespmem:s0+$0xFFFFFFE0] =	vst v9;
	v9 =	vmul.f32 $1.000000010e-01, v10  }
0x20f: {  	[tilespmem:s0+$0xFFFFFFF0] =	vst v11  }
0x210: {  	s21 =	simm.s32 $0x0;
	[tilespmem:s0+$0x0] =	vst v9  }
0x211: {  	s1 =	simm.s32 $0x3000;
	s25 =	sand.u32 $0x7C00, s21;
	s0 =	rddreg [dreg:$0x15]  }
0x212: {  	[hbm4b:s0+s18] =	stream.strided.scatter [tilespmem:s1], [sflag:$0x3], $0x1000, s19, s18, $0x38;
	[tilespmem:$0x1F800] =	vst v63  }
0x213: {  	s4 =	sadd.s32 $0xD180, s25;
	s0 =	sand.u32 $0x40, s21  }
0x214: {  	s26 =	sadd.s32 $0xD200, s25;
	s9 =	sor.u32 s0, s4  }
0x215: {  	s10 =	sadd.s32 $0xD280, s25;
	s31 =	sor.u32 s0, s26;
	v11 =	vld [tilespmem:s9+$0x0]  }
0x216: {  	s20 =	sor.u32 $0x30, s0;
	s19 =	sor.u32 s0, s10;
	v13 =	vld [tilespmem:s31+$0x0]  }
0x217: {  	s8 =	sor.u32 s20, s4;
	v23 =	vld [tilespmem:s19+$0x0]  }
0x218: {  	s28 =	sor.u32 s20, s26;
	v9 =	vld [tilespmem:s8+$0x0]  }
0x219: {  	s11 =	sadd.s32 $0xD300, s25;
	s29 =	sor.u32 s20, s10;
	v10 =	vld [tilespmem:s28+$0x0]  }
0x21a: {  	s23 =	sor.u32 $0x10, s0;
	s3 =	sor.u32 s20, s11;
	v12 =	vld [tilespmem:s29+$0x0]  }
0x21b: {  	s12 =	sadd.s32 $0xD380, s25;
	s5 =	sor.u32 s23, s4;
	v14 =	vld [tilespmem:s3+$0x0]  }
0x21c: {  	s9 =	sor.u32 s20, s12;
	v15 =	vld [tilespmem:s5+$0x0]  }
0x21d: {  	s13 =	sadd.s32 $0xD400, s25;
	s14 =	sor.u32 s23, s26;
	v16 =	vld [tilespmem:s9+$0x0]  }
0x21e: {  	s30 =	sor.u32 $0x20, s0;
	s15 =	sor.u32 s20, s13;
	v17 =	vld [tilespmem:s14+$0x0]  }
0x21f: {  	s16 =	sadd.s32 $0xD480, s25;
	s4 =	sor.u32 s30, s4;
	v18 =	vld [tilespmem:s15+$0x0]  }
0x220: {  	s17 =	sor.u32 s20, s16;
	v19 =	vld [tilespmem:s4+$0x0]  }
0x221: {  	s1 =	sadd.s32 $0x15180, s25;
	s6 =	sor.u32 s30, s26;
	v63 =	vld [tilespmem:s17+$0x0]  }
0x222: {  	s22 =	sor.u32 s20, s1;
	v21 =	vld [tilespmem:s6+$0x0]  }
0x223: {  	s24 =	sor.u32 s23, s10;
	v24 =	vld [tilespmem:s22+$0x0]  }
0x224: {  	s26 =	sor.u32 s0, s11;
	v25 =	vld [tilespmem:s24+$0x0]  }
0x225: {  	s31 =	sor.u32 s0, s12;
	v27 =	vld [tilespmem:s26+$0x0]  }
0x226: {  	s8 =	sadd.s32 $0x15100, s25;
	s25 =	sor.u32 s30, s10;
	v30 =	vld [tilespmem:s31+$0x0]  }
0x227: {  	s28 =	sor.u32 s23, s11;
	v26 =	vld [tilespmem:s25+$0x0]  }
0x228: {  	s29 =	sor.u32 s30, s11;
	v28 =	vld [tilespmem:s28+$0x0]  }
0x229: {  	s3 =	sor.u32 s23, s12;
	v29 =	vld [tilespmem:s29+$0x0]  }
0x22a: {  	s5 =	sor.u32 s30, s12;
	v31 =	vld [tilespmem:s3+$0x0]  }
0x22b: {  	s10 =	sor.u32 s0, s13;
	v32 =	vld [tilespmem:s5+$0x0]  }
0x22c: {  	s11 =	sor.u32 s23, s13;
	v33 =	vld [tilespmem:s10+$0x0]  }
0x22d: {  	s12 =	sor.u32 s30, s13;
	v34 =	vld [tilespmem:s11+$0x0]  }
0x22e: {  	s13 =	sor.u32 s0, s16;
	v35 =	vld [tilespmem:s12+$0x0]  }
0x22f: {  	s14 =	sor.u32 s23, s16;
	v36 =	vld [tilespmem:s13+$0x0]  }
0x230: {  	s15 =	sor.u32 s30, s16;
	v37 =	vld [tilespmem:s14+$0x0]  }
0x231: {  	s22 =	sor.u32 s23, s1;
	v38 =	vld [tilespmem:s15+$0x0]  }
0x232: {  	s18 =	sor.u32 s20, s8;
	v43 =	vld [tilespmem:s22+$0x0]  }
0x233: {  	s16 =	sor.u32 s0, s8;
	v22 =	vld [tilespmem:s18+$0x0]  }
0x234: {  	s17 =	sor.u32 s23, s8;
	v39 =	vld [tilespmem:s16+$0x0]  }
0x235: {  	s19 =	simm.s32 $0x200;
	s6 =	simm.s32 $0x40;
	s0 =	sor.u32 s0, s1;
	v40 =	vld [tilespmem:s17+$0x0]  }
0x236: {  	s31 =	sand.u32 $0x40, s6;
	s18 =	sor.u32 s30, s8;
	s8 =	sand.u32 $0x7C00, s19;
	v42 =	vld [tilespmem:s0+$0x0]  }
0x237: {  	s1 =	sor.u32 s30, s1;
	s0 =	sor.u32 $0x30, s31;
	v41 =	vld [tilespmem:s18+$0x0];
	s24 =	sadd.s32 $0xD180, s8  }
0x238: {  	s26 =	sor.u32 s0, s24;
	v9 =	vadd.f32 v10, v9;
	v10 =	vld [tilespmem:s1+$0x0]  }
0x239: {  	s25 =	sadd.s32 $0xD200, s8;
	s29 =	sor.u32 s31, s24;
	v44 =	vld [tilespmem:s26+$0x0]  }
0x23a: {  	s14 =	sadd.s32 $0xD380, s8;
	s4 =	sor.u32 s31, s25;
	v45 =	vld [tilespmem:s29+$0x0]  }
0x23b: {  	s11 =	sadd.s32 $0xD480, s8;
	s17 =	sor.u32 s0, s14;
	v46 =	vld [tilespmem:s4+$0x0];
	v9 =	vadd.f32 v12, v9  }
0x23c: {  	s10 =	sor.u32 $0x20, s31;
	v11 =	vadd.f32 v13, v11;
	s22 =	sor.u32 s0, s11;
	v15 =	vadd.f32 v17, v15;
	v17 =	vld [tilespmem:s17+$0x0]  }
0x23d: {  	s5 =	sadd.s32 $0xD300, s8;
	s9 =	sor.u32 s10, s25;
	v50 =	vld [tilespmem:s22+$0x0];
	v9 =	vadd.f32 v14, v9  }
0x23e: {  	v51 =	vld [tilespmem:s9+$0x0];
	s29 =	sor.u32 s31, s5;
	v11 =	vadd.f32 v23, v11  }
0x23f: {  	s28 =	sor.u32 s0, s25;
	s1 =	sor.u32 $0x10, s31;
	v56 =	vld [tilespmem:s29+$0x0];
	v9 =	vadd.f32 v16, v9  }
0x240: {  	s15 =	sor.u32 s1, s24;
	v12 =	vld [tilespmem:s28+$0x0];
	v15 =	vadd.f32 v25, v15;
	v11 =	vadd.f32 v27, v11  }
0x241: {  	s16 =	sadd.s32 $0xD280, s8;
	v13 =	vld [tilespmem:s15+$0x0];
	s15 =	sor.u32 s10, s24;
	v9 =	vadd.f32 v18, v9;
	v18 =	vadd.f32 v21, v19  }
0x242: {  	s3 =	sor.u32 s0, s16;
	v49 =	vld [tilespmem:s15+$0x0];
	v15 =	vadd.f32 v28, v15  }
0x243: {  	s18 =	sor.u32 s1, s25;
	s25 =	sor.u32 s31, s16;
	v14 =	vld [tilespmem:s3+$0x0];
	v11 =	vadd.f32 v30, v11;
	v18 =	vadd.f32 v26, v18  }
0x244: {  	s26 =	sor.u32 s1, s16;
	v53 =	vld [tilespmem:s25+$0x0];
	v15 =	vadd.f32 v31, v15  }
0x245: {  	s12 =	sadd.s32 $0x15100, s8;
	s13 =	sor.u32 s0, s5;
	v55 =	vld [tilespmem:s26+$0x0];
	v11 =	vadd.f32 v33, v11;
	v18 =	vadd.f32 v29, v18  }
0x246: {  	s24 =	sor.u32 s0, s12;
	v16 =	vld [tilespmem:s13+$0x0];
	v12 =	vadd.f32 v12, v44;
	v15 =	vadd.f32 v34, v15  }
0x247: {  	v52 =	vld [tilespmem:s24+$0x0];
	s3 =	sor.u32 s1, s5;
	v59 =	vadd.f32 v51, v49;
	v18 =	vadd.f32 v32, v18  }
0x248: {  	v57 =	vld [tilespmem:s3+$0x0];
	v11 =	vadd.f32 v36, v11;
	v12 =	vadd.f32 v14, v12  }
0x249: {  	s4 =	sor.u32 s10, s5;
	s5 =	sor.u32 s31, s14;
	s13 =	sadd.s32 $0xD400, s8;
	v19 =	vld [tilespmem:s18+$0x0];
	v9 =	vadd.f32 v63, v9;
	v18 =	vadd.f32 v35, v18  }
0x24a: {  	s15 =	sadd.s32 $0x15180, s8;
	v58 =	vld [tilespmem:s5+$0x0];
	s19 =	sor.u32 s0, s13;
	v15 =	vadd.f32 v37, v15;
	v11 =	vadd.f32 v39, v11  }
0x24b: {  	s8 =	sor.u32 s0, s15;
	v48 =	vld [tilespmem:s19+$0x0];
	v12 =	vadd.f32 v16, v12;
	v18 =	vadd.f32 v38, v18  }
0x24c: {  	s9 =	sor.u32 s10, s14;
	v54 =	vld [tilespmem:s8+$0x0];
	s8 =	sor.u32 s1, s14;
	s14 =	sor.u32 s31, s13;
	v9 =	vadd.f32 v22, v9;
	v15 =	vadd.f32 v40, v15  }
0x24d: {  	s28 =	sor.u32 s10, s16;
	v60 =	vld [tilespmem:s14+$0x0];
	v12 =	vadd.f32 v17, v12;
	v16 =	vadd.f32 v41, v18  }
0x24e: {  	s17 =	sor.u32 s1, s13;
	v14 =	vld [tilespmem:s28+$0x0];
	v13 =	vadd.f32 v19, v13;
	v9 =	vadd.f32 v24, v9  }
0x24f: {  	v61 =	vld [tilespmem:s17+$0x0];
	v16 =	vadd.f32 v10, v16;
	v10 =	vadd.f32 v46, v45  }
0x250: {  	v12 =	vadd.f32 v48, v12;
	v18 =	vadd.f32 v42, v11;
	v11 =	vld [tilespmem:s4+$0x0]  }
0x251: {  	s16 =	sand.u32 $0xF80, s21;
	v17 =	vld [tilespmem:s8+$0x0];
	v15 =	vadd.f32 v43, v15;
	v10 =	vadd.f32 v53, v10  }
0x252: {  	s18 =	sadd.s32 $0x1D100, s16;
	s19 =	sor.u32 s10, s13;
	v19 =	vld [tilespmem:s9+$0x0];
	v13 =	vadd.f32 v55, v13;
	v12 =	vadd.f32 v50, v12  }
0x253: {  	s6 =	sand.u32 $0xF80, s6;
	s21 =	sor.u32 s23, s18;
	v62 =	vld [tilespmem:s19+$0x0];
	s23 =	sor.u32 s31, s11;
	v14 =	vadd.f32 v14, v59;
	v10 =	vadd.f32 v56, v10  }
0x254: {  	s29 =	sor.u32 s10, s12;
	s25 =	sor.u32 s10, s11;
	s24 =	sor.u32 s1, s11;
	v63 =	vld [tilespmem:s23+$0x0];
	v13 =	vadd.f32 v57, v13;
	v12 =	vadd.f32 v52, v12  }
0x255: {  	s26 =	sor.u32 s31, s12;
	s14 =	sor.u32 s31, s15;
	[tilespmem:s21+$0x0] =	vst v15;
	s4 =	sor.u32 s20, s18;
	v11 =	vadd.f32 v11, v14;
	v14 =	vadd.f32 v58, v10;
	v10 =	vld [tilespmem:s24+$0x0]  }
0x256: {  	s13 =	sor.u32 s1, s15;
	s22 =	sor.u32 s30, s18;
	s20 =	simm.s32 $0x1D100;
	[tilespmem:s4+$0x0] =	vst v9;
	v9 =	vld [tilespmem:s25+$0x0];
	v15 =	vadd.f32 v54, v12;
	v12 =	vadd.f32 v17, v13  }
0x257: {  	s28 =	sor.u32 s1, s12;
	s11 =	sor.u32 s10, s15;
	s31 =	sadd.s32 $0x1D100, s6;
	[tilespmem:s20+$0x0] =	vst v18;
	v13 =	vadd.f32 v19, v11;
	v11 =	vld [tilespmem:s26+$0x0];
	v14 =	vadd.f32 v60, v14  }
0x258: {  	s30 =	simm.s32 $0x80;
	s1 =	sor.u32 s1, s31;
	s0 =	sor.u32 s0, s31;
	[tilespmem:s22+$0x0] =	vst v16;
	v16 =	vadd.f32 v61, v12;
	v12 =	vld [tilespmem:s28+$0x0]  }
0x259: {  	s6 =	sor.u32 s10, s31;
	s23 =	simm.s32 $0x400;
	s21 =	simm.s32 $0x4;
	[tilespmem:s0+$0x0] =	vst v15;
	v15 =	vadd.f32 v62, v13;
	v13 =	vld [tilespmem:s29+$0x0];
	v14 =	vadd.f32 v63, v14  }
.LBB2_16:
0x25a: {  	s12 =	sand.u32 $0x40, s30;
	s15 =	sand.u32 $0x7C00, s23;
	v17 =	vld [tilespmem:s14+$0x0];
	v10 =	vadd.f32 v10, v16;
	s20 =	sadd.s32 $0x40, s20  }
0x25b: {  	s21 =	sadd.s32 $0x4, s21;
	s4 =	sadd.s32 $0xD180, s15;
	s0 =	sor.u32 $0x30, s12;
	v16 =	vld [tilespmem:s13+$0x0];
	v9 =	vadd.f32 v9, v15  }
0x25c: {  	s8 =	sadd.s32 $0xD200, s15;
	p0 =	slt.u32 s21, $0xFC;
	s9 =	sor.u32 s0, s4;
	v11 =	vadd.f32 v11, v14;
	v14 =	vld [tilespmem:s11+$0x0]  }
0x25d: {  	s31 =	sor.u32 $0x10, s12;
	s10 =	sor.u32 $0x20, s12;
	v15 =	vld [tilespmem:s9+$0x0];
	s9 =	sor.u32 s0, s8;
	v10 =	vadd.f32 v12, v10  }
0x25e: {  	s14 =	sadd.s32 $0xD280, s15;
	s11 =	sor.u32 s12, s4;
	s13 =	sor.u32 s12, s8;
	v12 =	vld [tilespmem:s9+$0x0];
	v9 =	vadd.f32 v13, v9  }
0x25f: {  	s16 =	sor.u32 s0, s14;
	s9 =	sor.u32 s31, s4;
	v13 =	vld [tilespmem:s11+$0x0];
	s11 =	sor.u32 s31, s8;
	v11 =	vadd.f32 v17, v11  }
0x260: {  	s17 =	sadd.s32 $0xD300, s15;
	s18 =	sor.u32 s10, s4;
	s3 =	sor.u32 s10, s8;
	v17 =	vld [tilespmem:s16+$0x0];
	v10 =	vadd.f32 v16, v10  }
0x261: {  	s29 =	sor.u32 s31, s14;
	s4 =	sor.u32 s0, s17;
	v16 =	vld [tilespmem:s13+$0x0];
	s13 =	sor.u32 s12, s14;
	[tilespmem:s20+$0x0] =	vst v11;
	v9 =	vadd.f32 v14, v9  }
0x262: {  	s19 =	sadd.s32 $0xD380, s15;
	s5 =	sor.u32 s10, s14;
	s8 =	sor.u32 s12, s17;
	v11 =	vld [tilespmem:s4+$0x0];
	[tilespmem:s1+$0x0] =	vst v10  }
0x263: {  	s1 =	sor.u32 s10, s17;
	s4 =	sor.u32 s0, s19;
	v10 =	vld [tilespmem:s9+$0x0];
	s9 =	sor.u32 s31, s17;
	v12 =	vadd.f32 v12, v15;
	[tilespmem:s6+$0x0] =	vst v9  }
0x264: {  	s28 =	sor.u32 s31, s19;
	s14 =	sadd.s32 $0xD400, s15;
	s6 =	sor.u32 s12, s19;
	v9 =	vld [tilespmem:s4+$0x0]  }
0x265: {  	s26 =	sor.u32 s10, s19;
	s16 =	sor.u32 s12, s14;
	v14 =	vld [tilespmem:s11+$0x0];
	v12 =	vadd.f32 v17, v12;
	s11 =	sor.u32 s0, s14  }
0x266: {  	s24 =	sadd.s32 $0xD480, s15;
	s19 =	sor.u32 s10, s14;
	s4 =	sor.u32 s31, s14;
	v13 =	vadd.f32 v16, v13;
	v15 =	vld [tilespmem:s11+$0x0]  }
0x267: {  	s22 =	sor.u32 s12, s24;
	s17 =	sor.u32 s31, s24;
	s11 =	sor.u32 s0, s24;
	v16 =	vld [tilespmem:s18+$0x0];
	v11 =	vadd.f32 v11, v12  }
0x268: {  	s14 =	sadd.s32 $0x15100, s15;
	s24 =	sor.u32 s10, s24;
	v12 =	vld [tilespmem:s11+$0x0]  }
0x269: {  	s25 =	sor.u32 s12, s14;
	s18 =	sor.u32 s31, s14;
	v17 =	vld [tilespmem:s3+$0x0];
	v9 =	vadd.f32 v9, v11;
	s3 =	sor.u32 s0, s14  }
0x26a: {  	s11 =	sadd.s32 $0x15180, s15;
	s15 =	sor.u32 s10, s14;
	v10 =	vadd.f32 v14, v10;
	v11 =	vld [tilespmem:s3+$0x0]  }
0x26b: {  	s14 =	sor.u32 s12, s11;
	s3 =	sor.u32 s0, s11;
	v14 =	vld [tilespmem:s13+$0x0];
	s13 =	sor.u32 s31, s11;
	v9 =	vadd.f32 v15, v9  }
0x26c: {  	s11 =	sor.u32 s10, s11;
	v15 =	vld [tilespmem:s3+$0x0]  }
0x26d: {  	v18 =	vld [tilespmem:s29+$0x0];
	v9 =	vadd.f32 v12, v9  }
0x26e: {  	v12 =	vadd.f32 v17, v16;
	v16 =	vld [tilespmem:s5+$0x0]  }
0x26f: {  	v17 =	vld [tilespmem:s8+$0x0];
	v9 =	vadd.f32 v11, v9  }
0x270: {  	s3 =	sand.u32 $0xF80, s30;
	v11 =	vadd.f32 v14, v13;
	v13 =	vld [tilespmem:s9+$0x0]  }
0x271: {  	s3 =	sadd.s32 $0x1D100, s3;
	v14 =	vld [tilespmem:s1+$0x0];
	v9 =	vadd.f32 v15, v9  }
0x272: {  	s0 =	sor.u32 s0, s3;
	s1 =	sor.u32 s31, s3;
	v15 =	vld [tilespmem:s6+$0x0];
	v10 =	vadd.f32 v18, v10;
	s6 =	sor.u32 s10, s3  }
0x273: {  	s8 =	simm.s32 $0x20;
	v18 =	vld [tilespmem:s28+$0x0];
	v12 =	vadd.f32 v16, v12;
	[tilespmem:s0+$0x0] =	vst v9;
	s0 =	simm.s32 $0x4020  }
0x274: {  	v9 =	vadd.f32 v17, v11;
	v11 =	vld [tilespmem:s26+$0x0]  }
0x275: {  	v16 =	vld [tilespmem:s16+$0x0];
	v10 =	vadd.f32 v13, v10  }
0x276: {  	v13 =	vld [tilespmem:s4+$0x0];
	v12 =	vadd.f32 v14, v12  }
0x277: {  	v9 =	vadd.f32 v15, v9;
	v14 =	vld [tilespmem:s19+$0x0]  }
0x278: {  	v17 =	vld [tilespmem:s22+$0x0];
	v15 =	vadd.f32 v18, v10  }
.Ltmp7:
0x279: {  	v10 =	vld [tilespmem:s17+$0x0];
	v18 =	vadd.f32 v11, v12;
	(pc) =	sbr.rel @p0 .LBB2_16-.Ltmp7, $4  }
0x27a: {  	v19 =	vadd.f32 v16, v9;
	v9 =	vld [tilespmem:s24+$0x0]  }
0x27b: {  	v11 =	vld [tilespmem:s25+$0x0];
	v16 =	vadd.f32 v13, v15  }
0x27c: {  	v12 =	vld [tilespmem:s18+$0x0];
	v15 =	vadd.f32 v14, v18  }
0x27d: {  	s23 =	sadd.s32 $0x200, s23;
	s30 =	sadd.s32 $0x40, s30;
	v14 =	vadd.f32 v17, v19;
	v13 =	vld [tilespmem:s15+$0x0]  }
0x27e: {  	v17 =	vld [tilespmem:s14+$0x0]  }
0x27f: {  	v18 =	vld [tilespmem:s13+$0x0]  }
0x280: {  	v10 =	vadd.f32 v10, v16;
	v16 =	vld [tilespmem:s11+$0x0]  }
0x281: {  	v9 =	vadd.f32 v9, v15;
	v11 =	vadd.f32 v11, v14  }
0x282: {  	v10 =	vadd.f32 v12, v10  }
0x283: {  	v9 =	vadd.f32 v13, v9;
	v11 =	vadd.f32 v17, v11  }
0x284: {  	s3 =	sadd.s32 $0x40, s20;
	v10 =	vadd.f32 v18, v10  }
0x285: {  	v9 =	vadd.f32 v16, v9;
	[tilespmem:s3+$0x0] =	vst v11  }
0x286: {  	[tilespmem:s1+$0x0] =	vst v10  }
0x287: {  	[tilespmem:s6+$0x0] =	vst v9  }
0x288: {  	v9 =	vld [tilespmem:s8+$0x10]  }
0x289: {  	v10 =	vld [tilespmem:s8+$0xFFFFFFF0]  }
0x28a: {  	v11 =	vld [tilespmem:s8+$0xFFFFFFE0]  }
0x28b: {  	v12 =	vld [tilespmem:s8+$0x0]  }
0x28c: {  	s31 =	simm.s32 $0x60;
	v13 =	vld [tilespmem:s0+$0x10]  }
0x28d: {  	v15 =	vld [tilespmem:s31+$0x10]  }
0x28e: {  	v18 =	vld [tilespmem:s31+$0xFFFFFFF0]  }
0x28f: {  	v19 =	vld [tilespmem:s31+$0xFFFFFFE0]  }
0x290: {  	v20 =	vld [tilespmem:s0+$0xFFFFFFE0]  }
0x291: {  	v21 =	vld [tilespmem:s0+$0xFFFFFFF0]  }
0x292: {  	v9 =	vld.idx.msk [tilespmem:v9+s7+$0x0], $0xffff  }
0x293: {  	v14 =	vld [tilespmem:s0+$0x0]  }
0x294: {  	v17 =	vld.idx.msk [tilespmem:v10+s7+$0x0], $0xffff  }
0x295: {  	v16 =	vld.idx.msk [tilespmem:v11+s7+$0x0], $0xffff  }
0x296: {  	v10 =	vld [tilespmem:s31+$0x0]  }
0x297: {  	v11 =	vld.idx.msk [tilespmem:v12+s7+$0x0], $0xffff;
	v9 =	vadd.f32 v13, v9  }
0x298: {  	s1 =	simm.s32 $0x4060;
	v13 =	vld.idx.msk [tilespmem:v15+s7+$0x0], $0xffff  }
0x299: {  	v15 =	vld [tilespmem:s1+$0x10];
	v9 =	vmul.f32 $1.000000010e-01, v9  }
0x29a: {  	v12 =	vld.idx.msk [tilespmem:v18+s7+$0x0], $0xffff;
	v16 =	vadd.f32 v20, v16  }
0x29b: {  	s4 =	simm.s32 $0x4;
	s6 =	simm.s32 $0xA0;
	v17 =	vadd.f32 v21, v17;
	[tilespmem:s0+$0x10] =	vst v9;
	v9 =	vld.idx.msk [tilespmem:v19+s7+$0x0], $0xffff  }
.LBB2_18:
0x29c: {  	v18 =	vld [tilespmem:s6+$0x10];
	s4 =	sadd.s32 $0x4, s4;
	v16 =	vmul.f32 $1.000000010e-01, v16;
	v11 =	vadd.f32 v14, v11  }
0x29d: {  	v19 =	vld [tilespmem:s6+$0xFFFFFFF0];
	p0 =	slt.u32 s4, $0xFC;
	v14 =	vmul.f32 $1.000000010e-01, v17  }
0x29e: {  	v17 =	vld [tilespmem:s6+$0x0];
	v13 =	vadd.f32 v15, v13;
	[tilespmem:s0+$0xFFFFFFE0] =	vst v16;
	v15 =	vmul.f32 $1.000000010e-01, v11  }
0x29f: {  	v20 =	vld [tilespmem:s6+$0xFFFFFFE0];
	[tilespmem:s0+$0xFFFFFFF0] =	vst v14  }
0x2a0: {  	v21 =	vmov v12;
	v11 =	vld.idx.msk [tilespmem:v10+s7+$0x0], $0xffff;
	v13 =	vmul.f32 $1.000000010e-01, v13;
	[tilespmem:s0+$0x0] =	vst v15;
	s0 =	smov.u32 s1  }
0x2a1: {  	v16 =	vld [tilespmem:s1+$0xFFFFFFE0]  }
0x2a2: {  	v22 =	vld [tilespmem:s1+$0xFFFFFFF0];
	[tilespmem:s1+$0x10] =	vst v13  }
.Ltmp8:
0x2a3: {  	v14 =	vld [tilespmem:s1+$0x0];
	v10 =	vmov v17;
	(pc) =	sbr.rel @p0 .LBB2_18-.Ltmp8, $4  }
0x2a4: {  	s1 =	sadd.s32 $0x40, s1;
	v13 =	vld.idx.msk [tilespmem:v18+s7+$0x0], $0xffff  }
0x2a5: {  	v15 =	vld [tilespmem:s1+$0x10]  }
0x2a6: {  	v12 =	vld.idx.msk [tilespmem:v19+s7+$0x0], $0xffff;
	v16 =	vadd.f32 v16, v9  }
0x2a7: {  	s6 =	sadd.s32 $0x40, s6;
	v9 =	vld.idx.msk [tilespmem:v20+s7+$0x0], $0xffff;
	v17 =	vadd.f32 v22, v21  }
0x2a8: {  	_ =	sdelay $0x3  }
0x2a9: {  	v10 =	vld.idx.msk [tilespmem:v10+s7+$0x0], $0xffff  }
0x2aa: {  	v18 =	vld [tilespmem:s1+$0xFFFFFFE0]  }
0x2ab: {  	v19 =	vld [tilespmem:s1+$0xFFFFFFF0]  }
0x2ac: {  	v20 =	vld [tilespmem:s1+$0x0]  }
0x2ad: {  	v11 =	vadd.f32 v14, v11;
	v62 =	vmul.f32 $1.000000010e-01, v16  }
0x2ae: {  	v63 =	vmul.f32 $1.000000010e-01, v17;
	v13 =	vadd.f32 v15, v13  }
0x2af: {  	[tilespmem:s0+$0xFFFFFFE0] =	vst v62;
	v11 =	vmul.f32 $1.000000010e-01, v11;
	v9 =	vadd.f32 v18, v9  }
0x2b0: {  	[tilespmem:s0+$0xFFFFFFF0] =	vst v63;
	v13 =	vmul.f32 $1.000000010e-01, v13;
	v12 =	vadd.f32 v19, v12  }
0x2b1: {  	[tilespmem:s0+$0x0] =	vst v11;
	v10 =	vadd.f32 v20, v10;
	v9 =	vmul.f32 $1.000000010e-01, v9  }
0x2b2: {  	[tilespmem:s1+$0x10] =	vst v13;
	v11 =	vmul.f32 $1.000000010e-01, v12  }
0x2b3: {  	[tilespmem:s1+$0xFFFFFFE0] =	vst v9;
	v9 =	vmul.f32 $1.000000010e-01, v10  }
0x2b4: {  	[tilespmem:s1+$0xFFFFFFF0] =	vst v11  }
0x2b5: {  	s18 =	simm.s32 $0x80;
	s19 =	simm.s32 $0x400;
	[tilespmem:s1+$0x0] =	vst v9  }
0x2b6: {  	s29 =	simm.s32 $0x4000;
	s30 =	simm.s32 $0x3;
	s0 =	rddreg [dreg:$0x16]  }
0x2b7: {  	[hbm4b:s0+s18] =	stream.strided.scatter [tilespmem:s29], [sflag:$0x3], $0x1000, s19, s18, $0x38;
	[tilespmem:$0x1F800] =	vst v63  }
0x2b8: {  	_ =	swait.ge [sflag:s30], $0x1000  }
0x2b9: {  	[sflag:s30] =	ssyncset.done $0x0  }
0x2ba: {  	[sflag:s30] =	ssyncadd.s32 $0xFFFFF000  }
0x2bb: {  	_ =	swait.ge [sflag:s30], $0x1000  }
0x2bc: {  	s4 =	rddreg [dreg:$0x1d]  }
0x2bd: {  	s31 =	rddreg [dreg:$0x18];
	s4 =	sadd.s32 $0x1, s4  }
0x2be: {  	p0 =	sne.s32 s4, s31  }
.Ltmp9:
0x2bf: {  	_ = 	snop;
	(pc) =	sbr.rel @p0 .LBB2_1-.Ltmp9, $4  }
0x2c0: {  	_ = 	snop  }
0x2c1: {  	s12 =	simm.s32 $0x0  }
0x2c2: {  	s3 =	simm.s32 $0x4;
	s5 =	simm.s32 $0x5100;
	[sflag:s30] =	ssyncset.done $0x0  }
0x2c3: {  	s9 =	simm.s32 $0x1E800;
	s11 =	simm.s32 $0x1;
	[sflag:s30] =	ssyncadd.s32 $0xFFFFF000  }
0x2c4: {  	_ =	sfence.sel $0x180000  }
0x2c5: {  	[bflag:$0x0] =	sbarrier.arrive $0xFFFF  }
0x2c6: {  	_ =	strace $0x90000047  }
0x2c7: {  	s0 =	stileid.u32;
	[bflag:$0x2] =	sbarrier.arrive $0xFFFF  }
0x2c8: {  	p0 =	sne.s32 s0, $0x0;
	s0 =	rddreg [dreg:$0x7]  }
0x2c9: {  	s0 =	sadd.s32 @!p0 $0x100000, s0  }
0x2ca: {  	[sflag:s0] =	ssyncadd.tile.s32 @!p0 $0x1;
	_ =	shalt  }
.Lfunc_end2:
_tile_overlayer_lowered:
.L_overlay_start_2:
0x2cb: {  	(tag) =	ssettag $0x2  }
0x2cc: {  	s0 =	rddreg [dreg:$0x0];
	s2 =	stileid.u32  }
0x2cd: {  	s1 =	rddreg [dreg:$0x1];
	p0 =	sne.s32 s2, $0x0  }
0x2ce: {  	s3 =	rddreg [dreg:$0x2];
	[bflag:$0x3] =	sbarrier.arrive $0xFFFF;
	s2 =	simm.s32 @!p0 $0x1C04  }
0x2cf: {  	[timem:s3], [sflag:s2] =	dma.local @!p0 [hbm:s0], s1  }
0x2d0: {  	s0 =	simm.s32 @!p0 $0x4  }
0x2d1: {  	_ =	swait.ge @!p0 [sflag:s0], s1  }
0x2d2: {  	s1 =	ssub.s32 @!p0 $0x0, s1;
	[sflag:s0] =	ssyncset.done @!p0 $0x0  }
0x2d3: {  	[sflag:s0] =	ssyncadd.s32 @!p0 s1  }
0x2d4: {  	[bflag:$0x3] =	sbarrier.arrive $0xFFFF  }
0x2d5: {  	_ =	shalt  }

</sc_bundles>
